<compile_context>
chip_gen: v7x
topology: tpu7x:2x2x1
jax: 0.10.2.dev20260603
libtpu: 0.0.44.dev20260713+nightly
codegen_flags: <defaults>
</compile_context>

<pallas_src>
import functools

import jax
import jax.numpy as jnp
from jax import lax
from jax.experimental import pallas as pl
from jax.experimental.pallas import tpu as pltpu
from jax.experimental.pallas import tpu_sc as plsc

N = 10000
E = 320000
G = 64
D = 128
ED = 16
HFC = 64
OUT = 4

NC = 2
NS = 16
NW = NC * NS
EPT = E // NW
C = 80
NCHUNK = EPT // C
ZR = 80
STRIPE = 640



def _ea_body(eattr_ref, We0_ref, be0_ref, We1_ref, be1_ref, ea0_ref, ea1_ref):
    a = eattr_ref[...]
    ea0_ref[...] = (
        jnp.dot(a, We0_ref[...], preferred_element_type=jnp.float32) + be0_ref[...]
    )
    ea1_ref[...] = (
        jnp.dot(a, We1_ref[...], preferred_element_type=jnp.float32) + be1_ref[...]
    )


def _compute_ea(edge_attr, We0, be0, We1, be1):
    BLK = 4000
    grid = (E // BLK,)
    return pl.pallas_call(
        _ea_body,
        grid=grid,
        in_specs=[
            pl.BlockSpec((BLK, ED), lambda i: (i, 0)),
            pl.BlockSpec((ED, D), lambda i: (0, 0)),
            pl.BlockSpec((1, D), lambda i: (0, 0)),
            pl.BlockSpec((ED, D), lambda i: (0, 0)),
            pl.BlockSpec((1, D), lambda i: (0, 0)),
        ],
        out_specs=[
            pl.BlockSpec((BLK, D), lambda i: (i, 0)),
            pl.BlockSpec((BLK, D), lambda i: (i, 0)),
        ],
        out_shape=[
            jax.ShapeDtypeStruct((E, D), jnp.float32),
            jax.ShapeDtypeStruct((E, D), jnp.float32),
        ],
    )(edge_attr, We0, be0.reshape(1, D), We1, be1.reshape(1, D))



def _edge_body(x_hbm, src_hbm, dst_hbm, ea_hbm, out_hbm,
               srcv, dstv, xv, eav, zerov, aggs, sem):
    c = lax.axis_index("c")
    s = lax.axis_index("s")

    zeros16 = jnp.zeros((16,), jnp.float32)

    def zrow(i, _):
        r = i // 8
        col = (i % 8) * 16
        zerov[r, pl.ds(col, 16)] = zeros16
        return 0

    lax.fori_loop(0, ZR * 8, zrow, 0)

    r_base = s * STRIPE
    n_cp = jnp.where(s < NS - 1, STRIPE // ZR, (N - (NS - 1) * STRIPE) // ZR)

    def zcopy(k, _):
        pltpu.sync_copy(zerov, aggs.at[pl.ds(r_base + k * ZR, ZR)])
        return 0

    lax.fori_loop(0, n_cp, zcopy, 0)
    plsc.subcore_barrier()

    base = (c * NS + s) * EPT

    def chunk(i, _):
        off = base + i * C
        pltpu.sync_copy(src_hbm.at[pl.ds(off, C)], srcv)
        pltpu.sync_copy(dst_hbm.at[pl.ds(off, C)], dstv)
        pltpu.sync_copy(ea_hbm.at[pl.ds(off, C)], eav)
        pltpu.async_copy(x_hbm.at[srcv], xv, sem).wait()

        def row(r, _):
            for j in range(8):
                sl = pl.ds(j * 16, 16)
                eav[r, sl] = jnp.maximum(eav[r, sl] + xv[r, sl], 0.0)
            return 0

        lax.fori_loop(0, C, row, 0)
        pltpu.sync_copy(eav, aggs.at[dstv], add=True)
        return 0

    lax.fori_loop(0, NCHUNK, chunk, 0)
    plsc.subcore_barrier()

    def wcopy(k, _):
        r0 = r_base + k * ZR
        pltpu.sync_copy(aggs.at[pl.ds(r0, ZR)], zerov)
        pltpu.sync_copy(zerov, out_hbm.at[c].at[pl.ds(r0, ZR)])
        return 0

    lax.fori_loop(0, n_cp, wcopy, 0)


def _edge_pass(x, src, dst, ea):
    mesh = plsc.VectorSubcoreMesh(core_axis_name="c", subcore_axis_name="s",
                                  num_cores=NC, num_subcores=NS)
    k = functools.partial(
        pl.kernel,
        out_type=jax.ShapeDtypeStruct((NC, N, D), jnp.float32),
        mesh=mesh,
        scratch_types=[
            pltpu.VMEM((C,), jnp.int32),
            pltpu.VMEM((C,), jnp.int32),
            pltpu.VMEM((C, D), jnp.float32),
            pltpu.VMEM((C, D), jnp.float32),
            pltpu.VMEM((ZR, D), jnp.float32),
            pltpu.VMEM_SHARED((N, D), jnp.float32),
            pltpu.SemaphoreType.DMA,
        ],
    )(_edge_body)
    return k(x, src, dst, ea)



def _mlp(h, W1_ref, b1_ref, g_ref, bt_ref, W2_ref, b2_ref):
    t = jnp.dot(h, W1_ref[...], preferred_element_type=jnp.float32) + b1_ref[...]
    mu = jnp.mean(t, axis=0, keepdims=True)
    d = t - mu
    var = jnp.mean(d * d, axis=0, keepdims=True)
    t = d * (g_ref[...] * lax.rsqrt(var + 1e-5)) + bt_ref[...]
    t = jnp.maximum(t, 0.0)
    t = jnp.dot(t, W2_ref[...], preferred_element_type=jnp.float32) + b2_ref[...]
    return jnp.maximum(t, 0.0)


def _mlp_body(x_ref, agg_ref, W1_ref, b1_ref, g_ref, bt_ref, W2_ref, b2_ref,
              out_ref):
    h = x_ref[...] + agg_ref[0] + agg_ref[1]
    out_ref[...] = _mlp(h, W1_ref, b1_ref, g_ref, bt_ref, W2_ref, b2_ref)


def _mlp_call(x, agg, W1, b1, g, bt, W2, b2):
    return pl.pallas_call(
        _mlp_body,
        out_shape=jax.ShapeDtypeStruct((N, D), jnp.float32),
    )(x, agg, W1, b1.reshape(1, D), g.reshape(1, D), bt.reshape(1, D),
      W2, b2.reshape(1, D))


def _final_body(x_ref, agg_ref, W1_ref, b1_ref, g_ref, bt_ref, W2_ref, b2_ref,
                Wfc1_ref, Wfc2_ref, batch_ref, out_ref):
    h = x_ref[...] + agg_ref[0] + agg_ref[1]
    h = _mlp(h, W1_ref, b1_ref, g_ref, bt_ref, W2_ref, b2_ref)
    hf = jnp.maximum(jnp.dot(h, Wfc1_ref[...], preferred_element_type=jnp.float32), 0.0)
    lg = jnp.maximum(jnp.dot(hf, Wfc2_ref[...], preferred_element_type=jnp.float32), 0.0)

    b = batch_ref[...]
    gids = lax.broadcasted_iota(jnp.int32, (G, 1), 0)
    cmp = b == gids
    rowmax = jnp.max(lg, axis=1)
    neg = jnp.float32(-3.4e38)
    m = jnp.max(jnp.where(cmp, rowmax[None, :], neg), axis=1)
    m_node = jnp.max(jnp.where(cmp, m[:, None], neg), axis=0)
    e = jnp.exp(lg - m_node[:, None])
    rowsum = jnp.sum(e, axis=1)
    ssum = jnp.sum(jnp.where(cmp, rowsum[None, :], 0.0), axis=1)
    s_node = jnp.sum(jnp.where(cmp, ssum[:, None], 0.0), axis=0)
    out_ref[...] = e / s_node[:, None]


def _final_call(x, agg, W1, b1, g, bt, W2, b2, Wfc1, Wfc2, batch):
    return pl.pallas_call(
        _final_body,
        out_shape=jax.ShapeDtypeStruct((N, OUT), jnp.float32),
    )(x, agg, W1, b1.reshape(1, D), g.reshape(1, D), bt.reshape(1, D),
      W2, b2.reshape(1, D), Wfc1, Wfc2, batch.reshape(1, N))




def kernel(x, edge_index, batch, edge_attr,
           We0, be0, W1_0, b1_0, gamma0, beta0, W2_0, b2_0,
           We1, be1, W1_1, b1_1, gamma1, beta1, W2_1, b2_1,
           Wfc1, Wfc2):
    src = edge_index[0]
    dst = edge_index[1]

    ea0, ea1 = _compute_ea(edge_attr, We0, be0, We1, be1)

    agg0 = _edge_pass(x, src, dst, ea0)
    h1 = _mlp_call(x, agg0, W1_0, b1_0, gamma0, beta0, W2_0, b2_0)

    agg1 = _edge_pass(h1, src, dst, ea1)
    out = _final_call(h1, agg1, W1_1, b1_1, gamma1, beta1, W2_1, b2_1,
                      Wfc1, Wfc2, batch)
    return out.reshape(-1)

# --- scband reference (transcript-rebuilt; emitter-appended) ---
"""Pipeline reference for scband-actor-net-2095944040569 (READ-ONLY COPY).

The authoritative reference and input builder live on the scoring server;
editing this copy changes nothing except your own understanding.
"""

import jax, jax.numpy as jnp
import numpy as np

N = 10000
E = 320000
G = 64
D = 128
ED = 16
HFC = 64
OUT = 4


def setup_inputs(seed: int = 0):
    key = jax.random.key(seed)
    ks = jax.random.split(key, 24)
    inp = {}
    inp["x"] = jax.random.normal(ks[0], (N, D), dtype=jnp.float32)
    inp["edge_index"] = jax.random.randint(ks[1], (2, E), 0, N, dtype=jnp.int32)
    inp["batch"] = jnp.sort(jax.random.randint(ks[2], (N,), 0, G, dtype=jnp.int32))
    inp["edge_attr"] = jax.random.normal(ks[3], (E, ED), dtype=jnp.float32)
    k = 4
    for i in range(2):
        inp[f"We{i}"] = jax.random.normal(ks[k], (ED, D), dtype=jnp.float32) * 0.05; k += 1
        inp[f"be{i}"] = jnp.zeros((D,), jnp.float32)
        inp[f"W1_{i}"] = jax.random.normal(ks[k], (D, D), dtype=jnp.float32) * 0.05; k += 1
        inp[f"b1_{i}"] = jnp.zeros((D,), jnp.float32)
        inp[f"gamma{i}"] = jnp.ones((D,), jnp.float32)
        inp[f"beta{i}"] = jnp.zeros((D,), jnp.float32)
        inp[f"W2_{i}"] = jax.random.normal(ks[k], (D, D), dtype=jnp.float32) * 0.05; k += 1
        inp[f"b2_{i}"] = jnp.zeros((D,), jnp.float32)
    inp["Wfc1"] = jax.random.normal(ks[k], (D, HFC), dtype=jnp.float32) * 0.05; k += 1
    inp["Wfc2"] = jax.random.normal(ks[k], (HFC, OUT), dtype=jnp.float32) * 0.05
    return inp


def _gine(x, src, dst, edge_attr, We, be, W1, b1, gamma, beta, W2, b2):
    # GINEConv: out = MLP((1+eps)*x_i + sum_j relu(x_j + lin(edge_attr_ji))), eps=0
    msg = jax.nn.relu(x[src] + edge_attr @ We + be)
    agg = jax.ops.segment_sum(msg, dst, num_segments=N)
    h = x + agg
    # MLP = Linear -> BatchNorm1d (training-mode batch stats) -> ReLU -> Linear
    h = h @ W1 + b1
    mu = jnp.mean(h, axis=0)
    var = jnp.var(h, axis=0)
    h = (h - mu) / jnp.sqrt(var + 1e-5) * gamma + beta
    h = jax.nn.relu(h)
    h = h @ W2 + b2
    return h


def reference(x, edge_index, batch, edge_attr,
              We0, be0, W1_0, b1_0, gamma0, beta0, W2_0, b2_0,
              We1, be1, W1_1, b1_1, gamma1, beta1, W2_1, b2_1,
              Wfc1, Wfc2):
    src = edge_index[0]
    dst = edge_index[1]
    h = x
    h = jax.nn.relu(_gine(h, src, dst, edge_attr, We0, be0, W1_0, b1_0, gamma0, beta0, W2_0, b2_0))
    h = jax.nn.relu(_gine(h, src, dst, edge_attr, We1, be1, W1_1, b1_1, gamma1, beta1, W2_1, b2_1))
    h = jax.nn.relu(h @ Wfc1)
    h = jax.nn.relu(h @ Wfc2)
    flat = h.reshape(-1)  # [N*4]
    seg = jnp.repeat(batch, OUT)  # batch.unsqueeze(1).repeat(1,4).view(-1)
    # global_softmax: softmax over all node-action logits within each graph
    m = jax.ops.segment_max(flat, seg, num_segments=G)
    e = jnp.exp(flat - m[seg])
    s = jax.ops.segment_sum(e, seg, num_segments=G)
    return e / s[seg]

if __name__ == "__main__":
    import jax
    _d = setup_inputs()
    print(jax.jit(kernel)(*tuple(_d.values())))

</pallas_src>

<mosaic_0001>
#map = affine_map<(d0, d1) -> (0, 0)>
#map1 = affine_map<(d0, d1) -> (0)>
#map2 = affine_map<(d0, d1) -> (0, 0, 0)>
module attributes {stable_mosaic.version = 14 : i64} {
  func.func @_edge_body(%arg0: i32, %arg1: i32, %arg2: memref<10000x128xf32, #tpu.memory_space<hbm>>, %arg3: memref<320000xi32, #tpu.memory_space<hbm>>, %arg4: memref<320000xi32, #tpu.memory_space<hbm>>, %arg5: memref<320000x128xf32, #tpu.memory_space<hbm>>, %arg6: memref<2x10000x128xf32, #tpu.memory_space<hbm>>, %arg7: memref<80xi32, #tpu.memory_space<vmem>>, %arg8: memref<80xi32, #tpu.memory_space<vmem>>, %arg9: memref<80x128xf32, #tpu.memory_space<vmem>>, %arg10: memref<80x128xf32, #tpu.memory_space<vmem>>, %arg11: memref<80x128xf32, #tpu.memory_space<vmem>>, %arg12: memref<10000x128xf32, #tpu.memory_space<vmem_shared>>, %arg13: memref<!tpu.dma_semaphore, #tpu.memory_space<semaphore_mem>>) attributes {dimension_semantics = [#tpu.dimension_semantics<core_parallel>, #tpu.dimension_semantics<subcore_parallel>], iteration_bounds = array<i64: 2, 16>, scalar_prefetch = 0 : i64, scratch_operands = 7 : i64, tpu.core_type = #tpu.core_type<sc_vector_subcore>, window_params = [{transform_indices = #map}, {transform_indices = #map1}, {transform_indices = #map1}, {transform_indices = #map}, {transform_indices = #map2}]} {
    %broadcast_in_dim3A = arith.constant 0.000000e+00 : f32
    %broadcast_in_dim3A_0 = vector.broadcast %broadcast_in_dim3A : f32 to vector<16xf32>
    %scan3A = arith.constant 0 : i32
    %scan3A_1 = arith.constant 0 : i32
    %scan3A_2 = arith.constant 640 : i32
    %scan3A_3 = arith.addi %scan3A_1, %scan3A_2 : i32
    %scan3A_4 = arith.constant 1 : i32
    %scan3A_5 = scf.for %scan3A_45 = %scan3A_1 to %scan3A_3 step %scan3A_4 iter_args(%scan3A_46 = %scan3A) -> (i32)  : i32 {
      %jit3A_47 = arith.constant 8 : i32
      %div3A = arith.divsi %scan3A_45, %jit3A_47 : i32
      %sign3A = arith.constant 0 : i32
      %sign3A_48 = arith.cmpi sgt, %scan3A_45, %sign3A : i32
      %sign3A_49 = arith.extui %sign3A_48 : i1 to i32
      %sign3A_50 = arith.constant 0 : i32
      %sign3A_51 = arith.cmpi slt, %scan3A_45, %sign3A_50 : i32
      %sign3A_52 = arith.extui %sign3A_51 : i1 to i32
      %sign3A_53 = arith.subi %sign3A_49, %sign3A_52 : i32
      %sign3A_54 = arith.constant 0 : i32
      %sign3A_55 = arith.cmpi sgt, %jit3A_47, %sign3A_54 : i32
      %sign3A_56 = arith.extui %sign3A_55 : i1 to i32
      %sign3A_57 = arith.constant 0 : i32
      %sign3A_58 = arith.cmpi slt, %jit3A_47, %sign3A_57 : i32
      %sign3A_59 = arith.extui %sign3A_58 : i1 to i32
      %sign3A_60 = arith.subi %sign3A_56, %sign3A_59 : i32
      %ne3A = arith.cmpi ne, %sign3A_53, %sign3A_60 : i32
      %rem3A = arith.remsi %scan3A_45, %jit3A_47 : i32
      %ne3A_61 = arith.constant 0 : i32
      %ne3A_62 = arith.cmpi ne, %rem3A, %ne3A_61 : i32
      %and3A = arith.andi %ne3A, %ne3A_62 : i1
      %sub3A = arith.constant 1 : i32
      %sub3A_63 = arith.subi %div3A, %sub3A : i32
      %select_n3A_64 = arith.select %and3A, %sub3A_63, %div3A : i32
      %jit3A_65 = arith.constant 8 : i32
      %eq3A = arith.constant 0 : i32
      %eq3A_66 = arith.cmpi eq, %jit3A_65, %eq3A : i32
      %jit3A_67 = arith.constant 1 : i32
      %select_n3A_68 = arith.select %eq3A_66, %jit3A_67, %jit3A_65 : i32
      %rem3A_69 = arith.remsi %scan3A_45, %select_n3A_68 : i32
      %ne3A_70 = arith.constant 0 : i32
      %ne3A_71 = arith.cmpi ne, %rem3A_69, %ne3A_70 : i32
      %lt3A_72 = arith.constant 0 : i32
      %lt3A_73 = arith.cmpi slt, %rem3A_69, %lt3A_72 : i32
      %lt3A_74 = arith.constant 0 : i32
      %lt3A_75 = arith.cmpi slt, %select_n3A_68, %lt3A_74 : i32
      %ne3A_76 = arith.xori %lt3A_73, %lt3A_75 : i1
      %and3A_77 = arith.andi %ne3A_76, %ne3A_71 : i1
      %add3A_78 = arith.addi %rem3A_69, %select_n3A_68 : i32
      %select_n3A_79 = arith.select %and3A_77, %add3A_78, %rem3A_69 : i32
      %mul3A_80 = arith.constant 16 : i32
      %mul3A_81 = arith.muli %select_n3A_79, %mul3A_80 : i32
      %swap3A = arith.index_cast %select_n3A_64 : i32 to index
      %swap3A_82 = arith.index_cast %mul3A_81 : i32 to index
      %swap3A_83 = tpu.vector_load %arg11[%swap3A, %swap3A_82] {strides = array<i32>} : memref<80x128xf32, #tpu.memory_space<vmem>>, vector<1x16xf32>,
      %swap3A_84 = vector.shape_cast %swap3A_83 : vector<1x16xf32> to vector<16xf32>
      %swap3A_85 = vector.shape_cast %broadcast_in_dim3A_0 : vector<16xf32> to vector<1x16xf32>
      tpu.vector_store %arg11[%swap3A, %swap3A_82], %swap3A_85 {strides = array<i32>} : memref<80x128xf32, #tpu.memory_space<vmem>>, vector<1x16xf32>,
      %scan3A_86 = arith.constant 0 : i32
      scf.yield %scan3A_86 : i32
    }
    %scan3A_6 = arith.constant 640 : i32
    %mul3A = arith.constant 640 : i32
    %mul3A_7 = arith.muli %arg1, %mul3A : i32
    %lt3A = arith.constant 15 : i32
    %lt3A_8 = arith.cmpi slt, %arg1, %lt3A : i32
    %jit3A = arith.constant 8 : i32
    %jit3A_9 = arith.constant 5 : i32
    %select_n3A = arith.select %lt3A_8, %jit3A, %jit3A_9 : i32
    %while3A = arith.constant 0 : i32
    %while3A_10 = arith.constant 0 : i32
    %while3A_11 = arith.subi %select_n3A, %while3A : i32
    %while3A_12 = arith.addi %while3A, %while3A_11 : i32
    %while3A_13 = arith.constant 1 : i32
    %while3A_14 = arith.divsi %while3A_11, %while3A_13 : i32
    %while3A_15 = arith.muli %while3A_14, %while3A_13 : i32
    %while3A_16 = arith.addi %while3A, %while3A_15 : i32
    %while3A_17 = arith.constant 1 : i32
    %while3A_18 = scf.for %while3A_45 = %while3A to %while3A_16 step %while3A_17 iter_args(%while3A_46 = %while3A_10) -> (i32)  : i32 {
      %mul3A_47 = arith.constant 80 : i32
      %mul3A_48 = arith.muli %while3A_45, %mul3A_47 : i32
      %add3A_49 = arith.addi %mul3A_7, %mul3A_48 : i32
      "tpu.region"() ({
        %run_scoped3A = tpu.sem_alloc : memref<!tpu.dma_semaphore, #tpu.memory_space<semaphore_mem>>
        %dma_start3A = arith.constant 0 : i32
        %dma_start3A_51 = tpu.memref_slice %arg12[%add3A_49, %dma_start3A] : memref<10000x128xf32, #tpu.memory_space<vmem_shared>> -> memref<80x128xf32, #tpu.memory_space<vmem_shared>>
        %dma_start3A_52 = arith.constant 0 : i32
        %dma_start3A_53 = tpu.memref_slice %arg12[%add3A_49, %dma_start3A_52] : memref<10000x128xf32, #tpu.memory_space<vmem_shared>> -> memref<80x128xf32, #tpu.memory_space<vmem_shared>>
        tpu.enqueue_dma source(%arg11 : memref<80x128xf32, #tpu.memory_space<vmem>>) target(%dma_start3A_53 : memref<80x128xf32, #tpu.memory_space<vmem_shared>>) target_semaphore(%run_scoped3A : memref<!tpu.dma_semaphore, #tpu.memory_space<semaphore_mem>>)
        %dma_wait3A = arith.constant 0 : i32
        %dma_wait3A_54 = tpu.memref_slice %arg12[%add3A_49, %dma_wait3A] : memref<10000x128xf32, #tpu.memory_space<vmem_shared>> -> memref<80x128xf32, #tpu.memory_space<vmem_shared>>
        %dma_wait3A_55 = arith.constant 0 : i32
        %dma_wait3A_56 = tpu.memref_slice %arg12[%add3A_49, %dma_wait3A_55] : memref<10000x128xf32, #tpu.memory_space<vmem_shared>> -> memref<80x128xf32, #tpu.memory_space<vmem_shared>>
        tpu.wait_dma2 semaphore(%run_scoped3A : memref<!tpu.dma_semaphore, #tpu.memory_space<semaphore_mem>>) src(%arg11 : memref<80x128xf32, #tpu.memory_space<vmem>>) dst(%dma_wait3A_56 : memref<80x128xf32, #tpu.memory_space<vmem_shared>>)
        tpu.yield
      }) : () -> ()
      %while3A_50 = arith.constant 0 : i32
      scf.yield %while3A_50 : i32
    }
    %while3A_19 = arith.constant 1 : i32
    %while3A_20 = scf.for %while3A_45 = %while3A_16 to %while3A_12 step %while3A_19 iter_args(%while3A_46 = %while3A_18) -> (i32)  : i32 {
      %mul3A_47 = arith.constant 80 : i32
      %mul3A_48 = arith.muli %while3A_45, %mul3A_47 : i32
      %add3A_49 = arith.addi %mul3A_7, %mul3A_48 : i32
      "tpu.region"() ({
        %run_scoped3A = tpu.sem_alloc : memref<!tpu.dma_semaphore, #tpu.memory_space<semaphore_mem>>
        %dma_start3A = arith.constant 0 : i32
        %dma_start3A_51 = tpu.memref_slice %arg12[%add3A_49, %dma_start3A] : memref<10000x128xf32, #tpu.memory_space<vmem_shared>> -> memref<80x128xf32, #tpu.memory_space<vmem_shared>>
        %dma_start3A_52 = arith.constant 0 : i32
        %dma_start3A_53 = tpu.memref_slice %arg12[%add3A_49, %dma_start3A_52] : memref<10000x128xf32, #tpu.memory_space<vmem_shared>> -> memref<80x128xf32, #tpu.memory_space<vmem_shared>>
        tpu.enqueue_dma source(%arg11 : memref<80x128xf32, #tpu.memory_space<vmem>>) target(%dma_start3A_53 : memref<80x128xf32, #tpu.memory_space<vmem_shared>>) target_semaphore(%run_scoped3A : memref<!tpu.dma_semaphore, #tpu.memory_space<semaphore_mem>>)
        %dma_wait3A = arith.constant 0 : i32
        %dma_wait3A_54 = tpu.memref_slice %arg12[%add3A_49, %dma_wait3A] : memref<10000x128xf32, #tpu.memory_space<vmem_shared>> -> memref<80x128xf32, #tpu.memory_space<vmem_shared>>
        %dma_wait3A_55 = arith.constant 0 : i32
        %dma_wait3A_56 = tpu.memref_slice %arg12[%add3A_49, %dma_wait3A_55] : memref<10000x128xf32, #tpu.memory_space<vmem_shared>> -> memref<80x128xf32, #tpu.memory_space<vmem_shared>>
        tpu.wait_dma2 semaphore(%run_scoped3A : memref<!tpu.dma_semaphore, #tpu.memory_space<semaphore_mem>>) src(%arg11 : memref<80x128xf32, #tpu.memory_space<vmem>>) dst(%dma_wait3A_56 : memref<80x128xf32, #tpu.memory_space<vmem_shared>>)
        tpu.yield
      }) : () -> ()
      %while3A_50 = arith.constant 0 : i32
      scf.yield %while3A_50 : i32
    }
    %barrier3A = arith.constant 0 : index
    tpu.barrier barrier_id(%barrier3A)
    %mul3A_21 = arith.constant 16 : i32
    %mul3A_22 = arith.muli %arg0, %mul3A_21 : i32
    %add3A = arith.addi %mul3A_22, %arg1 : i32
    %mul3A_23 = arith.constant 10000 : i32
    %mul3A_24 = arith.muli %add3A, %mul3A_23 : i32
    %scan3A_25 = arith.constant 0 : i32
    %scan3A_26 = arith.constant 0 : i32
    %scan3A_27 = arith.constant 125 : i32
    %scan3A_28 = arith.addi %scan3A_26, %scan3A_27 : i32
    %scan3A_29 = arith.constant 1 : i32
    %scan3A_30 = scf.for %scan3A_45 = %scan3A_26 to %scan3A_28 step %scan3A_29 iter_args(%scan3A_46 = %scan3A_25) -> (i32)  : i32 {
      %mul3A_47 = arith.constant 80 : i32
      %mul3A_48 = arith.muli %scan3A_45, %mul3A_47 : i32
      %add3A_49 = arith.addi %mul3A_24, %mul3A_48 : i32
      "tpu.region"() ({
        %run_scoped3A = tpu.sem_alloc : memref<!tpu.dma_semaphore, #tpu.memory_space<semaphore_mem>>
        %dma_start3A_62 = tpu.memref_slice %arg3[%add3A_49] : memref<320000xi32, #tpu.memory_space<hbm>> -> memref<80xi32, #tpu.memory_space<hbm>>
        %dma_start3A_63 = tpu.memref_slice %arg3[%add3A_49] : memref<320000xi32, #tpu.memory_space<hbm>> -> memref<80xi32, #tpu.memory_space<hbm>>
        tpu.enqueue_dma source(%dma_start3A_63 : memref<80xi32, #tpu.memory_space<hbm>>) target(%arg7 : memref<80xi32, #tpu.memory_space<vmem>>) target_semaphore(%run_scoped3A : memref<!tpu.dma_semaphore, #tpu.memory_space<semaphore_mem>>)
        %dma_wait3A_64 = tpu.memref_slice %arg3[%add3A_49] : memref<320000xi32, #tpu.memory_space<hbm>> -> memref<80xi32, #tpu.memory_space<hbm>>
        %dma_wait3A_65 = tpu.memref_slice %arg3[%add3A_49] : memref<320000xi32, #tpu.memory_space<hbm>> -> memref<80xi32, #tpu.memory_space<hbm>>
        tpu.wait_dma2 semaphore(%run_scoped3A : memref<!tpu.dma_semaphore, #tpu.memory_space<semaphore_mem>>) src(%dma_wait3A_65 : memref<80xi32, #tpu.memory_space<hbm>>) dst(%arg7 : memref<80xi32, #tpu.memory_space<vmem>>)
        tpu.yield
      }) : () -> ()
      "tpu.region"() ({
        %run_scoped3A = tpu.sem_alloc : memref<!tpu.dma_semaphore, #tpu.memory_space<semaphore_mem>>
        %dma_start3A_62 = tpu.memref_slice %arg4[%add3A_49] : memref<320000xi32, #tpu.memory_space<hbm>> -> memref<80xi32, #tpu.memory_space<hbm>>
        %dma_start3A_63 = tpu.memref_slice %arg4[%add3A_49] : memref<320000xi32, #tpu.memory_space<hbm>> -> memref<80xi32, #tpu.memory_space<hbm>>
        tpu.enqueue_dma source(%dma_start3A_63 : memref<80xi32, #tpu.memory_space<hbm>>) target(%arg8 : memref<80xi32, #tpu.memory_space<vmem>>) target_semaphore(%run_scoped3A : memref<!tpu.dma_semaphore, #tpu.memory_space<semaphore_mem>>)
        %dma_wait3A_64 = tpu.memref_slice %arg4[%add3A_49] : memref<320000xi32, #tpu.memory_space<hbm>> -> memref<80xi32, #tpu.memory_space<hbm>>
        %dma_wait3A_65 = tpu.memref_slice %arg4[%add3A_49] : memref<320000xi32, #tpu.memory_space<hbm>> -> memref<80xi32, #tpu.memory_space<hbm>>
        tpu.wait_dma2 semaphore(%run_scoped3A : memref<!tpu.dma_semaphore, #tpu.memory_space<semaphore_mem>>) src(%dma_wait3A_65 : memref<80xi32, #tpu.memory_space<hbm>>) dst(%arg8 : memref<80xi32, #tpu.memory_space<vmem>>)
        tpu.yield
      }) : () -> ()
      "tpu.region"() ({
        %run_scoped3A = tpu.sem_alloc : memref<!tpu.dma_semaphore, #tpu.memory_space<semaphore_mem>>
        %dma_start3A_62 = arith.constant 0 : i32
        %dma_start3A_63 = tpu.memref_slice %arg5[%add3A_49, %dma_start3A_62] : memref<320000x128xf32, #tpu.memory_space<hbm>> -> memref<80x128xf32, #tpu.memory_space<hbm>>
        %dma_start3A_64 = arith.constant 0 : i32
        %dma_start3A_65 = tpu.memref_slice %arg5[%add3A_49, %dma_start3A_64] : memref<320000x128xf32, #tpu.memory_space<hbm>> -> memref<80x128xf32, #tpu.memory_space<hbm>>
        tpu.enqueue_dma source(%dma_start3A_65 : memref<80x128xf32, #tpu.memory_space<hbm>>) target(%arg10 : memref<80x128xf32, #tpu.memory_space<vmem>>) target_semaphore(%run_scoped3A : memref<!tpu.dma_semaphore, #tpu.memory_space<semaphore_mem>>)
        %dma_wait3A_66 = arith.constant 0 : i32
        %dma_wait3A_67 = tpu.memref_slice %arg5[%add3A_49, %dma_wait3A_66] : memref<320000x128xf32, #tpu.memory_space<hbm>> -> memref<80x128xf32, #tpu.memory_space<hbm>>
        %dma_wait3A_68 = arith.constant 0 : i32
        %dma_wait3A_69 = tpu.memref_slice %arg5[%add3A_49, %dma_wait3A_68] : memref<320000x128xf32, #tpu.memory_space<hbm>> -> memref<80x128xf32, #tpu.memory_space<hbm>>
        tpu.wait_dma2 semaphore(%run_scoped3A : memref<!tpu.dma_semaphore, #tpu.memory_space<semaphore_mem>>) src(%dma_wait3A_69 : memref<80x128xf32, #tpu.memory_space<hbm>>) dst(%arg10 : memref<80x128xf32, #tpu.memory_space<vmem>>)
        tpu.yield
      }) : () -> ()
      %dma_start3A = arith.constant 0 : i32
      %dma_start3A_50 = arith.constant 0 : i32
      %dma_start3A_51 = tpu.memref_slice %arg2[%dma_start3A, %dma_start3A_50] : memref<10000x128xf32, #tpu.memory_space<hbm>> -> memref<10000x128xf32, #tpu.memory_space<hbm>>
      tpu.enqueue_indirect_dma source(%dma_start3A_51 : memref<10000x128xf32, #tpu.memory_space<hbm>>) target(%arg9 : memref<80x128xf32, #tpu.memory_space<vmem>>) offsets(%arg7 : memref<80xi32, #tpu.memory_space<vmem>>) semaphore(%arg13 : memref<!tpu.dma_semaphore, #tpu.memory_space<semaphore_mem>>)
      %dma_wait3A = arith.constant 0 : i32
      %dma_wait3A_52 = arith.constant 0 : i32
      %dma_wait3A_53 = tpu.memref_slice %arg2[%dma_wait3A, %dma_wait3A_52] : memref<10000x128xf32, #tpu.memory_space<hbm>> -> memref<10000x128xf32, #tpu.memory_space<hbm>>
      tpu.wait_indirect_dma semaphore(%arg13 : memref<!tpu.dma_semaphore, #tpu.memory_space<semaphore_mem>>) src(%dma_wait3A_53 : memref<10000x128xf32, #tpu.memory_space<hbm>>) dst(%arg9 : memref<80x128xf32, #tpu.memory_space<vmem>>)
      %scan3A_54 = arith.constant 0 : i32
      %scan3A_55 = arith.constant 0 : i32
      %scan3A_56 = arith.constant 80 : i32
      %scan3A_57 = arith.addi %scan3A_55, %scan3A_56 : i32
      %scan3A_58 = arith.constant 1 : i32
      %scan3A_59 = scf.for %scan3A_62 = %scan3A_55 to %scan3A_57 step %scan3A_58 iter_args(%scan3A_63 = %scan3A_54) -> (i32)  : i32 {
        %get3A = arith.index_cast %scan3A_62 : i32 to index
        %get3A_64 = arith.constant 0 : index
        %get3A_65 = tpu.vector_load %arg10[%get3A, %get3A_64] {strides = array<i32>} : memref<80x128xf32, #tpu.memory_space<vmem>>, vector<1x16xf32>,
        %get3A_66 = vector.shape_cast %get3A_65 : vector<1x16xf32> to vector<16xf32>
        %get3A_67 = arith.index_cast %scan3A_62 : i32 to index
        %get3A_68 = arith.constant 0 : index
        %get3A_69 = tpu.vector_load %arg9[%get3A_67, %get3A_68] {strides = array<i32>} : memref<80x128xf32, #tpu.memory_space<vmem>>, vector<1x16xf32>,
        %get3A_70 = vector.shape_cast %get3A_69 : vector<1x16xf32> to vector<16xf32>
        %add3A_71 = arith.addf %get3A_66, %get3A_70 : vector<16xf32>
        %max3A = arith.constant 0.000000e+00 : f32
        %max3A_72 = vector.broadcast %max3A : f32 to vector<16xf32>
        %max3A_73 = arith.maximumf %add3A_71, %max3A_72 : vector<16xf32>
        %swap3A = arith.index_cast %scan3A_62 : i32 to index
        %swap3A_74 = arith.constant 0 : index
        %swap3A_75 = tpu.vector_load %arg10[%swap3A, %swap3A_74] {strides = array<i32>} : memref<80x128xf32, #tpu.memory_space<vmem>>, vector<1x16xf32>,
        %swap3A_76 = vector.shape_cast %swap3A_75 : vector<1x16xf32> to vector<16xf32>
        %swap3A_77 = vector.shape_cast %max3A_73 : vector<16xf32> to vector<1x16xf32>
        tpu.vector_store %arg10[%swap3A, %swap3A_74], %swap3A_77 {strides = array<i32>} : memref<80x128xf32, #tpu.memory_space<vmem>>, vector<1x16xf32>,
        %get3A_78 = arith.index_cast %scan3A_62 : i32 to index
        %get3A_79 = arith.constant 16 : index
        %get3A_80 = tpu.vector_load %arg10[%get3A_78, %get3A_79] {strides = array<i32>} : memref<80x128xf32, #tpu.memory_space<vmem>>, vector<1x16xf32>,
        %get3A_81 = vector.shape_cast %get3A_80 : vector<1x16xf32> to vector<16xf32>
        %get3A_82 = arith.index_cast %scan3A_62 : i32 to index
        %get3A_83 = arith.constant 16 : index
        %get3A_84 = tpu.vector_load %arg9[%get3A_82, %get3A_83] {strides = array<i32>} : memref<80x128xf32, #tpu.memory_space<vmem>>, vector<1x16xf32>,
        %get3A_85 = vector.shape_cast %get3A_84 : vector<1x16xf32> to vector<16xf32>
        %add3A_86 = arith.addf %get3A_81, %get3A_85 : vector<16xf32>
        %max3A_87 = arith.constant 0.000000e+00 : f32
        %max3A_88 = vector.broadcast %max3A_87 : f32 to vector<16xf32>
        %max3A_89 = arith.maximumf %add3A_86, %max3A_88 : vector<16xf32>
        %swap3A_90 = arith.index_cast %scan3A_62 : i32 to index
        %swap3A_91 = arith.constant 16 : index
        %swap3A_92 = tpu.vector_load %arg10[%swap3A_90, %swap3A_91] {strides = array<i32>} : memref<80x128xf32, #tpu.memory_space<vmem>>, vector<1x16xf32>,
        %swap3A_93 = vector.shape_cast %swap3A_92 : vector<1x16xf32> to vector<16xf32>
        %swap3A_94 = vector.shape_cast %max3A_89 : vector<16xf32> to vector<1x16xf32>
        tpu.vector_store %arg10[%swap3A_90, %swap3A_91], %swap3A_94 {strides = array<i32>} : memref<80x128xf32, #tpu.memory_space<vmem>>, vector<1x16xf32>,
        %get3A_95 = arith.index_cast %scan3A_62 : i32 to index
        %get3A_96 = arith.constant 32 : index
        %get3A_97 = tpu.vector_load %arg10[%get3A_95, %get3A_96] {strides = array<i32>} : memref<80x128xf32, #tpu.memory_space<vmem>>, vector<1x16xf32>,
        %get3A_98 = vector.shape_cast %get3A_97 : vector<1x16xf32> to vector<16xf32>
        %get3A_99 = arith.index_cast %scan3A_62 : i32 to index
        %get3A_100 = arith.constant 32 : index
        %get3A_101 = tpu.vector_load %arg9[%get3A_99, %get3A_100] {strides = array<i32>} : memref<80x128xf32, #tpu.memory_space<vmem>>, vector<1x16xf32>,
        %get3A_102 = vector.shape_cast %get3A_101 : vector<1x16xf32> to vector<16xf32>
        %add3A_103 = arith.addf %get3A_98, %get3A_102 : vector<16xf32>
        %max3A_104 = arith.constant 0.000000e+00 : f32
        %max3A_105 = vector.broadcast %max3A_104 : f32 to vector<16xf32>
        %max3A_106 = arith.maximumf %add3A_103, %max3A_105 : vector<16xf32>
        %swap3A_107 = arith.index_cast %scan3A_62 : i32 to index
        %swap3A_108 = arith.constant 32 : index
        %swap3A_109 = tpu.vector_load %arg10[%swap3A_107, %swap3A_108] {strides = array<i32>} : memref<80x128xf32, #tpu.memory_space<vmem>>, vector<1x16xf32>,
        %swap3A_110 = vector.shape_cast %swap3A_109 : vector<1x16xf32> to vector<16xf32>
        %swap3A_111 = vector.shape_cast %max3A_106 : vector<16xf32> to vector<1x16xf32>
        tpu.vector_store %arg10[%swap3A_107, %swap3A_108], %swap3A_111 {strides = array<i32>} : memref<80x128xf32, #tpu.memory_space<vmem>>, vector<1x16xf32>,
        %get3A_112 = arith.index_cast %scan3A_62 : i32 to index
        %get3A_113 = arith.constant 48 : index
        %get3A_114 = tpu.vector_load %arg10[%get3A_112, %get3A_113] {strides = array<i32>} : memref<80x128xf32, #tpu.memory_space<vmem>>, vector<1x16xf32>,
        %get3A_115 = vector.shape_cast %get3A_114 : vector<1x16xf32> to vector<16xf32>
        %get3A_116 = arith.index_cast %scan3A_62 : i32 to index
        %get3A_117 = arith.constant 48 : index
        %get3A_118 = tpu.vector_load %arg9[%get3A_116, %get3A_117] {strides = array<i32>} : memref<80x128xf32, #tpu.memory_space<vmem>>, vector<1x16xf32>,
        %get3A_119 = vector.shape_cast %get3A_118 : vector<1x16xf32> to vector<16xf32>
        %add3A_120 = arith.addf %get3A_115, %get3A_119 : vector<16xf32>
        %max3A_121 = arith.constant 0.000000e+00 : f32
        %max3A_122 = vector.broadcast %max3A_121 : f32 to vector<16xf32>
        %max3A_123 = arith.maximumf %add3A_120, %max3A_122 : vector<16xf32>
        %swap3A_124 = arith.index_cast %scan3A_62 : i32 to index
        %swap3A_125 = arith.constant 48 : index
        %swap3A_126 = tpu.vector_load %arg10[%swap3A_124, %swap3A_125] {strides = array<i32>} : memref<80x128xf32, #tpu.memory_space<vmem>>, vector<1x16xf32>,
        %swap3A_127 = vector.shape_cast %swap3A_126 : vector<1x16xf32> to vector<16xf32>
        %swap3A_128 = vector.shape_cast %max3A_123 : vector<16xf32> to vector<1x16xf32>
        tpu.vector_store %arg10[%swap3A_124, %swap3A_125], %swap3A_128 {strides = array<i32>} : memref<80x128xf32, #tpu.memory_space<vmem>>, vector<1x16xf32>,
        %get3A_129 = arith.index_cast %scan3A_62 : i32 to index
        %get3A_130 = arith.constant 64 : index
        %get3A_131 = tpu.vector_load %arg10[%get3A_129, %get3A_130] {strides = array<i32>} : memref<80x128xf32, #tpu.memory_space<vmem>>, vector<1x16xf32>,
        %get3A_132 = vector.shape_cast %get3A_131 : vector<1x16xf32> to vector<16xf32>
        %get3A_133 = arith.index_cast %scan3A_62 : i32 to index
        %get3A_134 = arith.constant 64 : index
        %get3A_135 = tpu.vector_load %arg9[%get3A_133, %get3A_134] {strides = array<i32>} : memref<80x128xf32, #tpu.memory_space<vmem>>, vector<1x16xf32>,
        %get3A_136 = vector.shape_cast %get3A_135 : vector<1x16xf32> to vector<16xf32>
        %add3A_137 = arith.addf %get3A_132, %get3A_136 : vector<16xf32>
        %max3A_138 = arith.constant 0.000000e+00 : f32
        %max3A_139 = vector.broadcast %max3A_138 : f32 to vector<16xf32>
        %max3A_140 = arith.maximumf %add3A_137, %max3A_139 : vector<16xf32>
        %swap3A_141 = arith.index_cast %scan3A_62 : i32 to index
        %swap3A_142 = arith.constant 64 : index
        %swap3A_143 = tpu.vector_load %arg10[%swap3A_141, %swap3A_142] {strides = array<i32>} : memref<80x128xf32, #tpu.memory_space<vmem>>, vector<1x16xf32>,
        %swap3A_144 = vector.shape_cast %swap3A_143 : vector<1x16xf32> to vector<16xf32>
        %swap3A_145 = vector.shape_cast %max3A_140 : vector<16xf32> to vector<1x16xf32>
        tpu.vector_store %arg10[%swap3A_141, %swap3A_142], %swap3A_145 {strides = array<i32>} : memref<80x128xf32, #tpu.memory_space<vmem>>, vector<1x16xf32>,
        %get3A_146 = arith.index_cast %scan3A_62 : i32 to index
        %get3A_147 = arith.constant 80 : index
        %get3A_148 = tpu.vector_load %arg10[%get3A_146, %get3A_147] {strides = array<i32>} : memref<80x128xf32, #tpu.memory_space<vmem>>, vector<1x16xf32>,
        %get3A_149 = vector.shape_cast %get3A_148 : vector<1x16xf32> to vector<16xf32>
        %get3A_150 = arith.index_cast %scan3A_62 : i32 to index
        %get3A_151 = arith.constant 80 : index
        %get3A_152 = tpu.vector_load %arg9[%get3A_150, %get3A_151] {strides = array<i32>} : memref<80x128xf32, #tpu.memory_space<vmem>>, vector<1x16xf32>,
        %get3A_153 = vector.shape_cast %get3A_152 : vector<1x16xf32> to vector<16xf32>
        %add3A_154 = arith.addf %get3A_149, %get3A_153 : vector<16xf32>
        %max3A_155 = arith.constant 0.000000e+00 : f32
        %max3A_156 = vector.broadcast %max3A_155 : f32 to vector<16xf32>
        %max3A_157 = arith.maximumf %add3A_154, %max3A_156 : vector<16xf32>
        %swap3A_158 = arith.index_cast %scan3A_62 : i32 to index
        %swap3A_159 = arith.constant 80 : index
        %swap3A_160 = tpu.vector_load %arg10[%swap3A_158, %swap3A_159] {strides = array<i32>} : memref<80x128xf32, #tpu.memory_space<vmem>>, vector<1x16xf32>,
        %swap3A_161 = vector.shape_cast %swap3A_160 : vector<1x16xf32> to vector<16xf32>
        %swap3A_162 = vector.shape_cast %max3A_157 : vector<16xf32> to vector<1x16xf32>
        tpu.vector_store %arg10[%swap3A_158, %swap3A_159], %swap3A_162 {strides = array<i32>} : memref<80x128xf32, #tpu.memory_space<vmem>>, vector<1x16xf32>,
        %get3A_163 = arith.index_cast %scan3A_62 : i32 to index
        %get3A_164 = arith.constant 96 : index
        %get3A_165 = tpu.vector_load %arg10[%get3A_163, %get3A_164] {strides = array<i32>} : memref<80x128xf32, #tpu.memory_space<vmem>>, vector<1x16xf32>,
        %get3A_166 = vector.shape_cast %get3A_165 : vector<1x16xf32> to vector<16xf32>
        %get3A_167 = arith.index_cast %scan3A_62 : i32 to index
        %get3A_168 = arith.constant 96 : index
        %get3A_169 = tpu.vector_load %arg9[%get3A_167, %get3A_168] {strides = array<i32>} : memref<80x128xf32, #tpu.memory_space<vmem>>, vector<1x16xf32>,
        %get3A_170 = vector.shape_cast %get3A_169 : vector<1x16xf32> to vector<16xf32>
        %add3A_171 = arith.addf %get3A_166, %get3A_170 : vector<16xf32>
        %max3A_172 = arith.constant 0.000000e+00 : f32
        %max3A_173 = vector.broadcast %max3A_172 : f32 to vector<16xf32>
        %max3A_174 = arith.maximumf %add3A_171, %max3A_173 : vector<16xf32>
        %swap3A_175 = arith.index_cast %scan3A_62 : i32 to index
        %swap3A_176 = arith.constant 96 : index
        %swap3A_177 = tpu.vector_load %arg10[%swap3A_175, %swap3A_176] {strides = array<i32>} : memref<80x128xf32, #tpu.memory_space<vmem>>, vector<1x16xf32>,
        %swap3A_178 = vector.shape_cast %swap3A_177 : vector<1x16xf32> to vector<16xf32>
        %swap3A_179 = vector.shape_cast %max3A_174 : vector<16xf32> to vector<1x16xf32>
        tpu.vector_store %arg10[%swap3A_175, %swap3A_176], %swap3A_179 {strides = array<i32>} : memref<80x128xf32, #tpu.memory_space<vmem>>, vector<1x16xf32>,
        %get3A_180 = arith.index_cast %scan3A_62 : i32 to index
        %get3A_181 = arith.constant 112 : index
        %get3A_182 = tpu.vector_load %arg10[%get3A_180, %get3A_181] {strides = array<i32>} : memref<80x128xf32, #tpu.memory_space<vmem>>, vector<1x16xf32>,
        %get3A_183 = vector.shape_cast %get3A_182 : vector<1x16xf32> to vector<16xf32>
        %get3A_184 = arith.index_cast %scan3A_62 : i32 to index
        %get3A_185 = arith.constant 112 : index
        %get3A_186 = tpu.vector_load %arg9[%get3A_184, %get3A_185] {strides = array<i32>} : memref<80x128xf32, #tpu.memory_space<vmem>>, vector<1x16xf32>,
        %get3A_187 = vector.shape_cast %get3A_186 : vector<1x16xf32> to vector<16xf32>
        %add3A_188 = arith.addf %get3A_183, %get3A_187 : vector<16xf32>
        %max3A_189 = arith.constant 0.000000e+00 : f32
        %max3A_190 = vector.broadcast %max3A_189 : f32 to vector<16xf32>
        %max3A_191 = arith.maximumf %add3A_188, %max3A_190 : vector<16xf32>
        %swap3A_192 = arith.index_cast %scan3A_62 : i32 to index
        %swap3A_193 = arith.constant 112 : index
        %swap3A_194 = tpu.vector_load %arg10[%swap3A_192, %swap3A_193] {strides = array<i32>} : memref<80x128xf32, #tpu.memory_space<vmem>>, vector<1x16xf32>,
        %swap3A_195 = vector.shape_cast %swap3A_194 : vector<1x16xf32> to vector<16xf32>
        %swap3A_196 = vector.shape_cast %max3A_191 : vector<16xf32> to vector<1x16xf32>
        tpu.vector_store %arg10[%swap3A_192, %swap3A_193], %swap3A_196 {strides = array<i32>} : memref<80x128xf32, #tpu.memory_space<vmem>>, vector<1x16xf32>,
        %scan3A_197 = arith.constant 0 : i32
        scf.yield %scan3A_197 : i32
      }
      %scan3A_60 = arith.constant 80 : i32
      "tpu.region"() ({
        %run_scoped3A = tpu.sem_alloc : memref<!tpu.dma_semaphore, #tpu.memory_space<semaphore_mem>>
        %dma_start3A_62 = arith.constant 0 : i32
        %dma_start3A_63 = arith.constant 0 : i32
        %dma_start3A_64 = tpu.memref_slice %arg12[%dma_start3A_62, %dma_start3A_63] : memref<10000x128xf32, #tpu.memory_space<vmem_shared>> -> memref<10000x128xf32, #tpu.memory_space<vmem_shared>>
        tpu.enqueue_indirect_dma source(%arg10 : memref<80x128xf32, #tpu.memory_space<vmem>>) target(%dma_start3A_64 : memref<10000x128xf32, #tpu.memory_space<vmem_shared>>) offsets(%arg8 : memref<80xi32, #tpu.memory_space<vmem>>) semaphore(%run_scoped3A : memref<!tpu.dma_semaphore, #tpu.memory_space<semaphore_mem>>) {add = true}
        %dma_wait3A_65 = arith.constant 0 : i32
        %dma_wait3A_66 = arith.constant 0 : i32
        %dma_wait3A_67 = tpu.memref_slice %arg12[%dma_wait3A_65, %dma_wait3A_66] : memref<10000x128xf32, #tpu.memory_space<vmem_shared>> -> memref<10000x128xf32, #tpu.memory_space<vmem_shared>>
        tpu.wait_indirect_dma semaphore(%run_scoped3A : memref<!tpu.dma_semaphore, #tpu.memory_space<semaphore_mem>>) src(%arg10 : memref<80x128xf32, #tpu.memory_space<vmem>>) dst(%dma_wait3A_67 : memref<10000x128xf32, #tpu.memory_space<vmem_shared>>)
        tpu.yield
      }) : () -> ()
      %scan3A_61 = arith.constant 0 : i32
      scf.yield %scan3A_61 : i32
    }
    %scan3A_31 = arith.constant 125 : i32
    %barrier3A_32 = arith.constant 0 : index
    tpu.barrier barrier_id(%barrier3A_32)
    %while3A_33 = arith.constant 0 : i32
    %while3A_34 = arith.constant 0 : i32
    %while3A_35 = arith.subi %select_n3A, %while3A_33 : i32
    %while3A_36 = arith.addi %while3A_33, %while3A_35 : i32
    %while3A_37 = arith.constant 1 : i32
    %while3A_38 = arith.divsi %while3A_35, %while3A_37 : i32
    %while3A_39 = arith.muli %while3A_38, %while3A_37 : i32
    %while3A_40 = arith.addi %while3A_33, %while3A_39 : i32
    %while3A_41 = arith.constant 1 : i32
    %while3A_42 = scf.for %while3A_45 = %while3A_33 to %while3A_40 step %while3A_41 iter_args(%while3A_46 = %while3A_34) -> (i32)  : i32 {
      %mul3A_47 = arith.constant 80 : i32
      %mul3A_48 = arith.muli %while3A_45, %mul3A_47 : i32
      %add3A_49 = arith.addi %mul3A_7, %mul3A_48 : i32
      "tpu.region"() ({
        %run_scoped3A = tpu.sem_alloc : memref<!tpu.dma_semaphore, #tpu.memory_space<semaphore_mem>>
        %dma_start3A = arith.constant 0 : i32
        %dma_start3A_51 = tpu.memref_slice %arg12[%add3A_49, %dma_start3A] : memref<10000x128xf32, #tpu.memory_space<vmem_shared>> -> memref<80x128xf32, #tpu.memory_space<vmem_shared>>
        %dma_start3A_52 = arith.constant 0 : i32
        %dma_start3A_53 = tpu.memref_slice %arg12[%add3A_49, %dma_start3A_52] : memref<10000x128xf32, #tpu.memory_space<vmem_shared>> -> memref<80x128xf32, #tpu.memory_space<vmem_shared>>
        tpu.enqueue_dma source(%dma_start3A_53 : memref<80x128xf32, #tpu.memory_space<vmem_shared>>) target(%arg11 : memref<80x128xf32, #tpu.memory_space<vmem>>) target_semaphore(%run_scoped3A : memref<!tpu.dma_semaphore, #tpu.memory_space<semaphore_mem>>)
        %dma_wait3A = arith.constant 0 : i32
        %dma_wait3A_54 = tpu.memref_slice %arg12[%add3A_49, %dma_wait3A] : memref<10000x128xf32, #tpu.memory_space<vmem_shared>> -> memref<80x128xf32, #tpu.memory_space<vmem_shared>>
        %dma_wait3A_55 = arith.constant 0 : i32
        %dma_wait3A_56 = tpu.memref_slice %arg12[%add3A_49, %dma_wait3A_55] : memref<10000x128xf32, #tpu.memory_space<vmem_shared>> -> memref<80x128xf32, #tpu.memory_space<vmem_shared>>
        tpu.wait_dma2 semaphore(%run_scoped3A : memref<!tpu.dma_semaphore, #tpu.memory_space<semaphore_mem>>) src(%dma_wait3A_56 : memref<80x128xf32, #tpu.memory_space<vmem_shared>>) dst(%arg11 : memref<80x128xf32, #tpu.memory_space<vmem>>)
        tpu.yield
      }) : () -> ()
      "tpu.region"() ({
        %run_scoped3A = tpu.sem_alloc : memref<!tpu.dma_semaphore, #tpu.memory_space<semaphore_mem>>
        %dma_start3A = arith.constant 0 : i32
        %dma_start3A_51 = arith.constant 0 : i32
        %dma_start3A_52 = tpu.memref_slice %arg6[%arg0, %dma_start3A, %dma_start3A_51] : memref<2x10000x128xf32, #tpu.memory_space<hbm>> -> memref<1x10000x128xf32, #tpu.memory_space<hbm>>
        %dma_start3A_53 = tpu.memref_squeeze %dma_start3A_52 : memref<1x10000x128xf32, #tpu.memory_space<hbm>> -> memref<10000x128xf32, #tpu.memory_space<hbm>>
        %dma_start3A_54 = arith.constant 0 : i32
        %dma_start3A_55 = tpu.memref_slice %dma_start3A_53[%add3A_49, %dma_start3A_54] : memref<10000x128xf32, #tpu.memory_space<hbm>> -> memref<80x128xf32, #tpu.memory_space<hbm>>
        %dma_start3A_56 = arith.constant 0 : i32
        %dma_start3A_57 = arith.constant 0 : i32
        %dma_start3A_58 = tpu.memref_slice %arg6[%arg0, %dma_start3A_56, %dma_start3A_57] : memref<2x10000x128xf32, #tpu.memory_space<hbm>> -> memref<1x10000x128xf32, #tpu.memory_space<hbm>>
        %dma_start3A_59 = tpu.memref_squeeze %dma_start3A_58 : memref<1x10000x128xf32, #tpu.memory_space<hbm>> -> memref<10000x128xf32, #tpu.memory_space<hbm>>
        %dma_start3A_60 = arith.constant 0 : i32
        %dma_start3A_61 = tpu.memref_slice %dma_start3A_59[%add3A_49, %dma_start3A_60] : memref<10000x128xf32, #tpu.memory_space<hbm>> -> memref<80x128xf32, #tpu.memory_space<hbm>>
        tpu.enqueue_dma source(%arg11 : memref<80x128xf32, #tpu.memory_space<vmem>>) target(%dma_start3A_61 : memref<80x128xf32, #tpu.memory_space<hbm>>) target_semaphore(%run_scoped3A : memref<!tpu.dma_semaphore, #tpu.memory_space<semaphore_mem>>)
        %dma_wait3A = arith.constant 0 : i32
        %dma_wait3A_62 = arith.constant 0 : i32
        %dma_wait3A_63 = tpu.memref_slice %arg6[%arg0, %dma_wait3A, %dma_wait3A_62] : memref<2x10000x128xf32, #tpu.memory_space<hbm>> -> memref<1x10000x128xf32, #tpu.memory_space<hbm>>
        %dma_wait3A_64 = tpu.memref_squeeze %dma_wait3A_63 : memref<1x10000x128xf32, #tpu.memory_space<hbm>> -> memref<10000x128xf32, #tpu.memory_space<hbm>>
        %dma_wait3A_65 = arith.constant 0 : i32
        %dma_wait3A_66 = tpu.memref_slice %dma_wait3A_64[%add3A_49, %dma_wait3A_65] : memref<10000x128xf32, #tpu.memory_space<hbm>> -> memref<80x128xf32, #tpu.memory_space<hbm>>
        %dma_wait3A_67 = arith.constant 0 : i32
        %dma_wait3A_68 = arith.constant 0 : i32
        %dma_wait3A_69 = tpu.memref_slice %arg6[%arg0, %dma_wait3A_67, %dma_wait3A_68] : memref<2x10000x128xf32, #tpu.memory_space<hbm>> -> memref<1x10000x128xf32, #tpu.memory_space<hbm>>
        %dma_wait3A_70 = tpu.memref_squeeze %dma_wait3A_69 : memref<1x10000x128xf32, #tpu.memory_space<hbm>> -> memref<10000x128xf32, #tpu.memory_space<hbm>>
        %dma_wait3A_71 = arith.constant 0 : i32
        %dma_wait3A_72 = tpu.memref_slice %dma_wait3A_70[%add3A_49, %dma_wait3A_71] : memref<10000x128xf32, #tpu.memory_space<hbm>> -> memref<80x128xf32, #tpu.memory_space<hbm>>
        tpu.wait_dma2 semaphore(%run_scoped3A : memref<!tpu.dma_semaphore, #tpu.memory_space<semaphore_mem>>) src(%arg11 : memref<80x128xf32, #tpu.memory_space<vmem>>) dst(%dma_wait3A_72 : memref<80x128xf32, #tpu.memory_space<hbm>>)
        tpu.yield
      }) : () -> ()
      %while3A_50 = arith.constant 0 : i32
      scf.yield %while3A_50 : i32
    }
    %while3A_43 = arith.constant 1 : i32
    %while3A_44 = scf.for %while3A_45 = %while3A_40 to %while3A_36 step %while3A_43 iter_args(%while3A_46 = %while3A_42) -> (i32)  : i32 {
      %mul3A_47 = arith.constant 80 : i32
      %mul3A_48 = arith.muli %while3A_45, %mul3A_47 : i32
      %add3A_49 = arith.addi %mul3A_7, %mul3A_48 : i32
      "tpu.region"() ({
        %run_scoped3A = tpu.sem_alloc : memref<!tpu.dma_semaphore, #tpu.memory_space<semaphore_mem>>
        %dma_start3A = arith.constant 0 : i32
        %dma_start3A_51 = tpu.memref_slice %arg12[%add3A_49, %dma_start3A] : memref<10000x128xf32, #tpu.memory_space<vmem_shared>> -> memref<80x128xf32, #tpu.memory_space<vmem_shared>>
        %dma_start3A_52 = arith.constant 0 : i32
        %dma_start3A_53 = tpu.memref_slice %arg12[%add3A_49, %dma_start3A_52] : memref<10000x128xf32, #tpu.memory_space<vmem_shared>> -> memref<80x128xf32, #tpu.memory_space<vmem_shared>>
        tpu.enqueue_dma source(%dma_start3A_53 : memref<80x128xf32, #tpu.memory_space<vmem_shared>>) target(%arg11 : memref<80x128xf32, #tpu.memory_space<vmem>>) target_semaphore(%run_scoped3A : memref<!tpu.dma_semaphore, #tpu.memory_space<semaphore_mem>>)
        %dma_wait3A = arith.constant 0 : i32
        %dma_wait3A_54 = tpu.memref_slice %arg12[%add3A_49, %dma_wait3A] : memref<10000x128xf32, #tpu.memory_space<vmem_shared>> -> memref<80x128xf32, #tpu.memory_space<vmem_shared>>
        %dma_wait3A_55 = arith.constant 0 : i32
        %dma_wait3A_56 = tpu.memref_slice %arg12[%add3A_49, %dma_wait3A_55] : memref<10000x128xf32, #tpu.memory_space<vmem_shared>> -> memref<80x128xf32, #tpu.memory_space<vmem_shared>>
        tpu.wait_dma2 semaphore(%run_scoped3A : memref<!tpu.dma_semaphore, #tpu.memory_space<semaphore_mem>>) src(%dma_wait3A_56 : memref<80x128xf32, #tpu.memory_space<vmem_shared>>) dst(%arg11 : memref<80x128xf32, #tpu.memory_space<vmem>>)
        tpu.yield
      }) : () -> ()
      "tpu.region"() ({
        %run_scoped3A = tpu.sem_alloc : memref<!tpu.dma_semaphore, #tpu.memory_space<semaphore_mem>>
        %dma_start3A = arith.constant 0 : i32
        %dma_start3A_51 = arith.constant 0 : i32
        %dma_start3A_52 = tpu.memref_slice %arg6[%arg0, %dma_start3A, %dma_start3A_51] : memref<2x10000x128xf32, #tpu.memory_space<hbm>> -> memref<1x10000x128xf32, #tpu.memory_space<hbm>>
        %dma_start3A_53 = tpu.memref_squeeze %dma_start3A_52 : memref<1x10000x128xf32, #tpu.memory_space<hbm>> -> memref<10000x128xf32, #tpu.memory_space<hbm>>
        %dma_start3A_54 = arith.constant 0 : i32
        %dma_start3A_55 = tpu.memref_slice %dma_start3A_53[%add3A_49, %dma_start3A_54] : memref<10000x128xf32, #tpu.memory_space<hbm>> -> memref<80x128xf32, #tpu.memory_space<hbm>>
        %dma_start3A_56 = arith.constant 0 : i32
        %dma_start3A_57 = arith.constant 0 : i32
        %dma_start3A_58 = tpu.memref_slice %arg6[%arg0, %dma_start3A_56, %dma_start3A_57] : memref<2x10000x128xf32, #tpu.memory_space<hbm>> -> memref<1x10000x128xf32, #tpu.memory_space<hbm>>
        %dma_start3A_59 = tpu.memref_squeeze %dma_start3A_58 : memref<1x10000x128xf32, #tpu.memory_space<hbm>> -> memref<10000x128xf32, #tpu.memory_space<hbm>>
        %dma_start3A_60 = arith.constant 0 : i32
        %dma_start3A_61 = tpu.memref_slice %dma_start3A_59[%add3A_49, %dma_start3A_60] : memref<10000x128xf32, #tpu.memory_space<hbm>> -> memref<80x128xf32, #tpu.memory_space<hbm>>
        tpu.enqueue_dma source(%arg11 : memref<80x128xf32, #tpu.memory_space<vmem>>) target(%dma_start3A_61 : memref<80x128xf32, #tpu.memory_space<hbm>>) target_semaphore(%run_scoped3A : memref<!tpu.dma_semaphore, #tpu.memory_space<semaphore_mem>>)
        %dma_wait3A = arith.constant 0 : i32
        %dma_wait3A_62 = arith.constant 0 : i32
        %dma_wait3A_63 = tpu.memref_slice %arg6[%arg0, %dma_wait3A, %dma_wait3A_62] : memref<2x10000x128xf32, #tpu.memory_space<hbm>> -> memref<1x10000x128xf32, #tpu.memory_space<hbm>>
        %dma_wait3A_64 = tpu.memref_squeeze %dma_wait3A_63 : memref<1x10000x128xf32, #tpu.memory_space<hbm>> -> memref<10000x128xf32, #tpu.memory_space<hbm>>
        %dma_wait3A_65 = arith.constant 0 : i32
        %dma_wait3A_66 = tpu.memref_slice %dma_wait3A_64[%add3A_49, %dma_wait3A_65] : memref<10000x128xf32, #tpu.memory_space<hbm>> -> memref<80x128xf32, #tpu.memory_space<hbm>>
        %dma_wait3A_67 = arith.constant 0 : i32
        %dma_wait3A_68 = arith.constant 0 : i32
        %dma_wait3A_69 = tpu.memref_slice %arg6[%arg0, %dma_wait3A_67, %dma_wait3A_68] : memref<2x10000x128xf32, #tpu.memory_space<hbm>> -> memref<1x10000x128xf32, #tpu.memory_space<hbm>>
        %dma_wait3A_70 = tpu.memref_squeeze %dma_wait3A_69 : memref<1x10000x128xf32, #tpu.memory_space<hbm>> -> memref<10000x128xf32, #tpu.memory_space<hbm>>
        %dma_wait3A_71 = arith.constant 0 : i32
        %dma_wait3A_72 = tpu.memref_slice %dma_wait3A_70[%add3A_49, %dma_wait3A_71] : memref<10000x128xf32, #tpu.memory_space<hbm>> -> memref<80x128xf32, #tpu.memory_space<hbm>>
        tpu.wait_dma2 semaphore(%run_scoped3A : memref<!tpu.dma_semaphore, #tpu.memory_space<semaphore_mem>>) src(%arg11 : memref<80x128xf32, #tpu.memory_space<vmem>>) dst(%dma_wait3A_72 : memref<80x128xf32, #tpu.memory_space<hbm>>)
        tpu.yield
      }) : () -> ()
      %while3A_50 = arith.constant 0 : i32
      scf.yield %while3A_50 : i32
    }
    return
  }
}

#map = affine_map<(d0, d1) -> (0, 0)>
#map1 = affine_map<(d0, d1) -> (0)>
#map2 = affine_map<(d0, d1) -> (0, 0, 0)>
module attributes {stable_mosaic.version = 14 : i64} {
  func.func @_edge_body(%arg0: i32, %arg1: i32, %arg2: memref<10000x128xf32, #tpu.memory_space<hbm>>, %arg3: memref<320000xi32, #tpu.memory_space<hbm>>, %arg4: memref<320000xi32, #tpu.memory_space<hbm>>, %arg5: memref<320000x128xf32, #tpu.memory_space<hbm>>, %arg6: memref<2x10000x128xf32, #tpu.memory_space<hbm>>, %arg7: memref<80xi32, #tpu.memory_space<vmem>>, %arg8: memref<80xi32, #tpu.memory_space<vmem>>, %arg9: memref<80x128xf32, #tpu.memory_space<vmem>>, %arg10: memref<80x128xf32, #tpu.memory_space<vmem>>, %arg11: memref<80x128xf32, #tpu.memory_space<vmem>>, %arg12: memref<10000x128xf32, #tpu.memory_space<vmem_shared>>, %arg13: memref<!tpu.dma_semaphore, #tpu.memory_space<semaphore_mem>>) attributes {dimension_semantics = [#tpu.dimension_semantics<core_parallel>, #tpu.dimension_semantics<subcore_parallel>], iteration_bounds = array<i64: 2, 16>, scalar_prefetch = 0 : i64, scratch_operands = 7 : i64, tpu.core_type = #tpu.core_type<sc_vector_subcore>, window_params = [{transform_indices = #map}, {transform_indices = #map1}, {transform_indices = #map1}, {transform_indices = #map}, {transform_indices = #map2}]} {
    %broadcast_in_dim3A = arith.constant 0.000000e+00 : f32
    %broadcast_in_dim3A_0 = vector.broadcast %broadcast_in_dim3A : f32 to vector<16xf32>
    %scan3A = arith.constant 0 : i32
    %scan3A_1 = arith.constant 0 : i32
    %scan3A_2 = arith.constant 640 : i32
    %scan3A_3 = arith.addi %scan3A_1, %scan3A_2 : i32
    %scan3A_4 = arith.constant 1 : i32
    %scan3A_5 = scf.for %scan3A_45 = %scan3A_1 to %scan3A_3 step %scan3A_4 iter_args(%scan3A_46 = %scan3A) -> (i32)  : i32 {
      %jit3A_47 = arith.constant 8 : i32
      %div3A = arith.divsi %scan3A_45, %jit3A_47 : i32
      %sign3A = arith.constant 0 : i32
      %sign3A_48 = arith.cmpi sgt, %scan3A_45, %sign3A : i32
      %sign3A_49 = arith.extui %sign3A_48 : i1 to i32
      %sign3A_50 = arith.constant 0 : i32
      %sign3A_51 = arith.cmpi slt, %scan3A_45, %sign3A_50 : i32
      %sign3A_52 = arith.extui %sign3A_51 : i1 to i32
      %sign3A_53 = arith.subi %sign3A_49, %sign3A_52 : i32
      %sign3A_54 = arith.constant 0 : i32
      %sign3A_55 = arith.cmpi sgt, %jit3A_47, %sign3A_54 : i32
      %sign3A_56 = arith.extui %sign3A_55 : i1 to i32
      %sign3A_57 = arith.constant 0 : i32
      %sign3A_58 = arith.cmpi slt, %jit3A_47, %sign3A_57 : i32
      %sign3A_59 = arith.extui %sign3A_58 : i1 to i32
      %sign3A_60 = arith.subi %sign3A_56, %sign3A_59 : i32
      %ne3A = arith.cmpi ne, %sign3A_53, %sign3A_60 : i32
      %rem3A = arith.remsi %scan3A_45, %jit3A_47 : i32
      %ne3A_61 = arith.constant 0 : i32
      %ne3A_62 = arith.cmpi ne, %rem3A, %ne3A_61 : i32
      %and3A = arith.andi %ne3A, %ne3A_62 : i1
      %sub3A = arith.constant 1 : i32
      %sub3A_63 = arith.subi %div3A, %sub3A : i32
      %select_n3A_64 = arith.select %and3A, %sub3A_63, %div3A : i32
      %jit3A_65 = arith.constant 8 : i32
      %eq3A = arith.constant 0 : i32
      %eq3A_66 = arith.cmpi eq, %jit3A_65, %eq3A : i32
      %jit3A_67 = arith.constant 1 : i32
      %select_n3A_68 = arith.select %eq3A_66, %jit3A_67, %jit3A_65 : i32
      %rem3A_69 = arith.remsi %scan3A_45, %select_n3A_68 : i32
      %ne3A_70 = arith.constant 0 : i32
      %ne3A_71 = arith.cmpi ne, %rem3A_69, %ne3A_70 : i32
      %lt3A_72 = arith.constant 0 : i32
      %lt3A_73 = arith.cmpi slt, %rem3A_69, %lt3A_72 : i32
      %lt3A_74 = arith.constant 0 : i32
      %lt3A_75 = arith.cmpi slt, %select_n3A_68, %lt3A_74 : i32
      %ne3A_76 = arith.xori %lt3A_73, %lt3A_75 : i1
      %and3A_77 = arith.andi %ne3A_76, %ne3A_71 : i1
      %add3A_78 = arith.addi %rem3A_69, %select_n3A_68 : i32
      %select_n3A_79 = arith.select %and3A_77, %add3A_78, %rem3A_69 : i32
      %mul3A_80 = arith.constant 16 : i32
      %mul3A_81 = arith.muli %select_n3A_79, %mul3A_80 : i32
      %swap3A = arith.index_cast %select_n3A_64 : i32 to index
      %swap3A_82 = arith.index_cast %mul3A_81 : i32 to index
      %swap3A_83 = tpu.vector_load %arg11[%swap3A, %swap3A_82] {strides = array<i32>} : memref<80x128xf32, #tpu.memory_space<vmem>>, vector<1x16xf32>,
      %swap3A_84 = vector.shape_cast %swap3A_83 : vector<1x16xf32> to vector<16xf32>
      %swap3A_85 = vector.shape_cast %broadcast_in_dim3A_0 : vector<16xf32> to vector<1x16xf32>
      tpu.vector_store %arg11[%swap3A, %swap3A_82], %swap3A_85 {strides = array<i32>} : memref<80x128xf32, #tpu.memory_space<vmem>>, vector<1x16xf32>,
      %scan3A_86 = arith.constant 0 : i32
      scf.yield %scan3A_86 : i32
    }
    %scan3A_6 = arith.constant 640 : i32
    %mul3A = arith.constant 640 : i32
    %mul3A_7 = arith.muli %arg1, %mul3A : i32
    %lt3A = arith.constant 15 : i32
    %lt3A_8 = arith.cmpi slt, %arg1, %lt3A : i32
    %jit3A = arith.constant 8 : i32
    %jit3A_9 = arith.constant 5 : i32
    %select_n3A = arith.select %lt3A_8, %jit3A, %jit3A_9 : i32
    %while3A = arith.constant 0 : i32
    %while3A_10 = arith.constant 0 : i32
    %while3A_11 = arith.subi %select_n3A, %while3A : i32
    %while3A_12 = arith.addi %while3A, %while3A_11 : i32
    %while3A_13 = arith.constant 1 : i32
    %while3A_14 = arith.divsi %while3A_11, %while3A_13 : i32
    %while3A_15 = arith.muli %while3A_14, %while3A_13 : i32
    %while3A_16 = arith.addi %while3A, %while3A_15 : i32
    %while3A_17 = arith.constant 1 : i32
    %while3A_18 = scf.for %while3A_45 = %while3A to %while3A_16 step %while3A_17 iter_args(%while3A_46 = %while3A_10) -> (i32)  : i32 {
      %mul3A_47 = arith.constant 80 : i32
      %mul3A_48 = arith.muli %while3A_45, %mul3A_47 : i32
      %add3A_49 = arith.addi %mul3A_7, %mul3A_48 : i32
      "tpu.region"() ({
        %run_scoped3A = tpu.sem_alloc : memref<!tpu.dma_semaphore, #tpu.memory_space<semaphore_mem>>
        %dma_start3A = arith.constant 0 : i32
        %dma_start3A_51 = tpu.memref_slice %arg12[%add3A_49, %dma_start3A] : memref<10000x128xf32, #tpu.memory_space<vmem_shared>> -> memref<80x128xf32, #tpu.memory_space<vmem_shared>>
        %dma_start3A_52 = arith.constant 0 : i32
        %dma_start3A_53 = tpu.memref_slice %arg12[%add3A_49, %dma_start3A_52] : memref<10000x128xf32, #tpu.memory_space<vmem_shared>> -> memref<80x128xf32, #tpu.memory_space<vmem_shared>>
        tpu.enqueue_dma source(%arg11 : memref<80x128xf32, #tpu.memory_space<vmem>>) target(%dma_start3A_53 : memref<80x128xf32, #tpu.memory_space<vmem_shared>>) target_semaphore(%run_scoped3A : memref<!tpu.dma_semaphore, #tpu.memory_space<semaphore_mem>>)
        %dma_wait3A = arith.constant 0 : i32
        %dma_wait3A_54 = tpu.memref_slice %arg12[%add3A_49, %dma_wait3A] : memref<10000x128xf32, #tpu.memory_space<vmem_shared>> -> memref<80x128xf32, #tpu.memory_space<vmem_shared>>
        %dma_wait3A_55 = arith.constant 0 : i32
        %dma_wait3A_56 = tpu.memref_slice %arg12[%add3A_49, %dma_wait3A_55] : memref<10000x128xf32, #tpu.memory_space<vmem_shared>> -> memref<80x128xf32, #tpu.memory_space<vmem_shared>>
        tpu.wait_dma2 semaphore(%run_scoped3A : memref<!tpu.dma_semaphore, #tpu.memory_space<semaphore_mem>>) src(%arg11 : memref<80x128xf32, #tpu.memory_space<vmem>>) dst(%dma_wait3A_56 : memref<80x128xf32, #tpu.memory_space<vmem_shared>>)
        tpu.yield
      }) : () -> ()
      %while3A_50 = arith.constant 0 : i32
      scf.yield %while3A_50 : i32
    }
    %while3A_19 = arith.constant 1 : i32
    %while3A_20 = scf.for %while3A_45 = %while3A_16 to %while3A_12 step %while3A_19 iter_args(%while3A_46 = %while3A_18) -> (i32)  : i32 {
      %mul3A_47 = arith.constant 80 : i32
      %mul3A_48 = arith.muli %while3A_45, %mul3A_47 : i32
      %add3A_49 = arith.addi %mul3A_7, %mul3A_48 : i32
      "tpu.region"() ({
        %run_scoped3A = tpu.sem_alloc : memref<!tpu.dma_semaphore, #tpu.memory_space<semaphore_mem>>
        %dma_start3A = arith.constant 0 : i32
        %dma_start3A_51 = tpu.memref_slice %arg12[%add3A_49, %dma_start3A] : memref<10000x128xf32, #tpu.memory_space<vmem_shared>> -> memref<80x128xf32, #tpu.memory_space<vmem_shared>>
        %dma_start3A_52 = arith.constant 0 : i32
        %dma_start3A_53 = tpu.memref_slice %arg12[%add3A_49, %dma_start3A_52] : memref<10000x128xf32, #tpu.memory_space<vmem_shared>> -> memref<80x128xf32, #tpu.memory_space<vmem_shared>>
        tpu.enqueue_dma source(%arg11 : memref<80x128xf32, #tpu.memory_space<vmem>>) target(%dma_start3A_53 : memref<80x128xf32, #tpu.memory_space<vmem_shared>>) target_semaphore(%run_scoped3A : memref<!tpu.dma_semaphore, #tpu.memory_space<semaphore_mem>>)
        %dma_wait3A = arith.constant 0 : i32
        %dma_wait3A_54 = tpu.memref_slice %arg12[%add3A_49, %dma_wait3A] : memref<10000x128xf32, #tpu.memory_space<vmem_shared>> -> memref<80x128xf32, #tpu.memory_space<vmem_shared>>
        %dma_wait3A_55 = arith.constant 0 : i32
        %dma_wait3A_56 = tpu.memref_slice %arg12[%add3A_49, %dma_wait3A_55] : memref<10000x128xf32, #tpu.memory_space<vmem_shared>> -> memref<80x128xf32, #tpu.memory_space<vmem_shared>>
        tpu.wait_dma2 semaphore(%run_scoped3A : memref<!tpu.dma_semaphore, #tpu.memory_space<semaphore_mem>>) src(%arg11 : memref<80x128xf32, #tpu.memory_space<vmem>>) dst(%dma_wait3A_56 : memref<80x128xf32, #tpu.memory_space<vmem_shared>>)
        tpu.yield
      }) : () -> ()
      %while3A_50 = arith.constant 0 : i32
      scf.yield %while3A_50 : i32
    }
    %barrier3A = arith.constant 0 : index
    tpu.barrier barrier_id(%barrier3A)
    %mul3A_21 = arith.constant 16 : i32
    %mul3A_22 = arith.muli %arg0, %mul3A_21 : i32
    %add3A = arith.addi %mul3A_22, %arg1 : i32
    %mul3A_23 = arith.constant 10000 : i32
    %mul3A_24 = arith.muli %add3A, %mul3A_23 : i32
    %scan3A_25 = arith.constant 0 : i32
    %scan3A_26 = arith.constant 0 : i32
    %scan3A_27 = arith.constant 125 : i32
    %scan3A_28 = arith.addi %scan3A_26, %scan3A_27 : i32
    %scan3A_29 = arith.constant 1 : i32
    %scan3A_30 = scf.for %scan3A_45 = %scan3A_26 to %scan3A_28 step %scan3A_29 iter_args(%scan3A_46 = %scan3A_25) -> (i32)  : i32 {
      %mul3A_47 = arith.constant 80 : i32
      %mul3A_48 = arith.muli %scan3A_45, %mul3A_47 : i32
      %add3A_49 = arith.addi %mul3A_24, %mul3A_48 : i32
      "tpu.region"() ({
        %run_scoped3A = tpu.sem_alloc : memref<!tpu.dma_semaphore, #tpu.memory_space<semaphore_mem>>
        %dma_start3A_62 = tpu.memref_slice %arg3[%add3A_49] : memref<320000xi32, #tpu.memory_space<hbm>> -> memref<80xi32, #tpu.memory_space<hbm>>
        %dma_start3A_63 = tpu.memref_slice %arg3[%add3A_49] : memref<320000xi32, #tpu.memory_space<hbm>> -> memref<80xi32, #tpu.memory_space<hbm>>
        tpu.enqueue_dma source(%dma_start3A_63 : memref<80xi32, #tpu.memory_space<hbm>>) target(%arg7 : memref<80xi32, #tpu.memory_space<vmem>>) target_semaphore(%run_scoped3A : memref<!tpu.dma_semaphore, #tpu.memory_space<semaphore_mem>>)
        %dma_wait3A_64 = tpu.memref_slice %arg3[%add3A_49] : memref<320000xi32, #tpu.memory_space<hbm>> -> memref<80xi32, #tpu.memory_space<hbm>>
        %dma_wait3A_65 = tpu.memref_slice %arg3[%add3A_49] : memref<320000xi32, #tpu.memory_space<hbm>> -> memref<80xi32, #tpu.memory_space<hbm>>
        tpu.wait_dma2 semaphore(%run_scoped3A : memref<!tpu.dma_semaphore, #tpu.memory_space<semaphore_mem>>) src(%dma_wait3A_65 : memref<80xi32, #tpu.memory_space<hbm>>) dst(%arg7 : memref<80xi32, #tpu.memory_space<vmem>>)
        tpu.yield
      }) : () -> ()
      "tpu.region"() ({
        %run_scoped3A = tpu.sem_alloc : memref<!tpu.dma_semaphore, #tpu.memory_space<semaphore_mem>>
        %dma_start3A_62 = tpu.memref_slice %arg4[%add3A_49] : memref<320000xi32, #tpu.memory_space<hbm>> -> memref<80xi32, #tpu.memory_space<hbm>>
        %dma_start3A_63 = tpu.memref_slice %arg4[%add3A_49] : memref<320000xi32, #tpu.memory_space<hbm>> -> memref<80xi32, #tpu.memory_space<hbm>>
        tpu.enqueue_dma source(%dma_start3A_63 : memref<80xi32, #tpu.memory_space<hbm>>) target(%arg8 : memref<80xi32, #tpu.memory_space<vmem>>) target_semaphore(%run_scoped3A : memref<!tpu.dma_semaphore, #tpu.memory_space<semaphore_mem>>)
        %dma_wait3A_64 = tpu.memref_slice %arg4[%add3A_49] : memref<320000xi32, #tpu.memory_space<hbm>> -> memref<80xi32, #tpu.memory_space<hbm>>
        %dma_wait3A_65 = tpu.memref_slice %arg4[%add3A_49] : memref<320000xi32, #tpu.memory_space<hbm>> -> memref<80xi32, #tpu.memory_space<hbm>>
        tpu.wait_dma2 semaphore(%run_scoped3A : memref<!tpu.dma_semaphore, #tpu.memory_space<semaphore_mem>>) src(%dma_wait3A_65 : memref<80xi32, #tpu.memory_space<hbm>>) dst(%arg8 : memref<80xi32, #tpu.memory_space<vmem>>)
        tpu.yield
      }) : () -> ()
      "tpu.region"() ({
        %run_scoped3A = tpu.sem_alloc : memref<!tpu.dma_semaphore, #tpu.memory_space<semaphore_mem>>
        %dma_start3A_62 = arith.constant 0 : i32
        %dma_start3A_63 = tpu.memref_slice %arg5[%add3A_49, %dma_start3A_62] : memref<320000x128xf32, #tpu.memory_space<hbm>> -> memref<80x128xf32, #tpu.memory_space<hbm>>
        %dma_start3A_64 = arith.constant 0 : i32
        %dma_start3A_65 = tpu.memref_slice %arg5[%add3A_49, %dma_start3A_64] : memref<320000x128xf32, #tpu.memory_space<hbm>> -> memref<80x128xf32, #tpu.memory_space<hbm>>
        tpu.enqueue_dma source(%dma_start3A_65 : memref<80x128xf32, #tpu.memory_space<hbm>>) target(%arg10 : memref<80x128xf32, #tpu.memory_space<vmem>>) target_semaphore(%run_scoped3A : memref<!tpu.dma_semaphore, #tpu.memory_space<semaphore_mem>>)
        %dma_wait3A_66 = arith.constant 0 : i32
        %dma_wait3A_67 = tpu.memref_slice %arg5[%add3A_49, %dma_wait3A_66] : memref<320000x128xf32, #tpu.memory_space<hbm>> -> memref<80x128xf32, #tpu.memory_space<hbm>>
        %dma_wait3A_68 = arith.constant 0 : i32
        %dma_wait3A_69 = tpu.memref_slice %arg5[%add3A_49, %dma_wait3A_68] : memref<320000x128xf32, #tpu.memory_space<hbm>> -> memref<80x128xf32, #tpu.memory_space<hbm>>
        tpu.wait_dma2 semaphore(%run_scoped3A : memref<!tpu.dma_semaphore, #tpu.memory_space<semaphore_mem>>) src(%dma_wait3A_69 : memref<80x128xf32, #tpu.memory_space<hbm>>) dst(%arg10 : memref<80x128xf32, #tpu.memory_space<vmem>>)
        tpu.yield
      }) : () -> ()
      %dma_start3A = arith.constant 0 : i32
      %dma_start3A_50 = arith.constant 0 : i32
      %dma_start3A_51 = tpu.memref_slice %arg2[%dma_start3A, %dma_start3A_50] : memref<10000x128xf32, #tpu.memory_space<hbm>> -> memref<10000x128xf32, #tpu.memory_space<hbm>>
      tpu.enqueue_indirect_dma source(%dma_start3A_51 : memref<10000x128xf32, #tpu.memory_space<hbm>>) target(%arg9 : memref<80x128xf32, #tpu.memory_space<vmem>>) offsets(%arg7 : memref<80xi32, #tpu.memory_space<vmem>>) semaphore(%arg13 : memref<!tpu.dma_semaphore, #tpu.memory_space<semaphore_mem>>)
      %dma_wait3A = arith.constant 0 : i32
      %dma_wait3A_52 = arith.constant 0 : i32
      %dma_wait3A_53 = tpu.memref_slice %arg2[%dma_wait3A, %dma_wait3A_52] : memref<10000x128xf32, #tpu.memory_space<hbm>> -> memref<10000x128xf32, #tpu.memory_space<hbm>>
      tpu.wait_indirect_dma semaphore(%arg13 : memref<!tpu.dma_semaphore, #tpu.memory_space<semaphore_mem>>) src(%dma_wait3A_53 : memref<10000x128xf32, #tpu.memory_space<hbm>>) dst(%arg9 : memref<80x128xf32, #tpu.memory_space<vmem>>)
      %scan3A_54 = arith.constant 0 : i32
      %scan3A_55 = arith.constant 0 : i32
      %scan3A_56 = arith.constant 80 : i32
      %scan3A_57 = arith.addi %scan3A_55, %scan3A_56 : i32
      %scan3A_58 = arith.constant 1 : i32
      %scan3A_59 = scf.for %scan3A_62 = %scan3A_55 to %scan3A_57 step %scan3A_58 iter_args(%scan3A_63 = %scan3A_54) -> (i32)  : i32 {
        %get3A = arith.index_cast %scan3A_62 : i32 to index
        %get3A_64 = arith.constant 0 : index
        %get3A_65 = tpu.vector_load %arg10[%get3A, %get3A_64] {strides = array<i32>} : memref<80x128xf32, #tpu.memory_space<vmem>>, vector<1x16xf32>,
        %get3A_66 = vector.shape_cast %get3A_65 : vector<1x16xf32> to vector<16xf32>
        %get3A_67 = arith.index_cast %scan3A_62 : i32 to index
        %get3A_68 = arith.constant 0 : index
        %get3A_69 = tpu.vector_load %arg9[%get3A_67, %get3A_68] {strides = array<i32>} : memref<80x128xf32, #tpu.memory_space<vmem>>, vector<1x16xf32>,
        %get3A_70 = vector.shape_cast %get3A_69 : vector<1x16xf32> to vector<16xf32>
        %add3A_71 = arith.addf %get3A_66, %get3A_70 : vector<16xf32>
        %max3A = arith.constant 0.000000e+00 : f32
        %max3A_72 = vector.broadcast %max3A : f32 to vector<16xf32>
        %max3A_73 = arith.maximumf %add3A_71, %max3A_72 : vector<16xf32>
        %swap3A = arith.index_cast %scan3A_62 : i32 to index
        %swap3A_74 = arith.constant 0 : index
        %swap3A_75 = tpu.vector_load %arg10[%swap3A, %swap3A_74] {strides = array<i32>} : memref<80x128xf32, #tpu.memory_space<vmem>>, vector<1x16xf32>,
        %swap3A_76 = vector.shape_cast %swap3A_75 : vector<1x16xf32> to vector<16xf32>
        %swap3A_77 = vector.shape_cast %max3A_73 : vector<16xf32> to vector<1x16xf32>
        tpu.vector_store %arg10[%swap3A, %swap3A_74], %swap3A_77 {strides = array<i32>} : memref<80x128xf32, #tpu.memory_space<vmem>>, vector<1x16xf32>,
        %get3A_78 = arith.index_cast %scan3A_62 : i32 to index
        %get3A_79 = arith.constant 16 : index
        %get3A_80 = tpu.vector_load %arg10[%get3A_78, %get3A_79] {strides = array<i32>} : memref<80x128xf32, #tpu.memory_space<vmem>>, vector<1x16xf32>,
        %get3A_81 = vector.shape_cast %get3A_80 : vector<1x16xf32> to vector<16xf32>
        %get3A_82 = arith.index_cast %scan3A_62 : i32 to index
        %get3A_83 = arith.constant 16 : index
        %get3A_84 = tpu.vector_load %arg9[%get3A_82, %get3A_83] {strides = array<i32>} : memref<80x128xf32, #tpu.memory_space<vmem>>, vector<1x16xf32>,
        %get3A_85 = vector.shape_cast %get3A_84 : vector<1x16xf32> to vector<16xf32>
        %add3A_86 = arith.addf %get3A_81, %get3A_85 : vector<16xf32>
        %max3A_87 = arith.constant 0.000000e+00 : f32
        %max3A_88 = vector.broadcast %max3A_87 : f32 to vector<16xf32>
        %max3A_89 = arith.maximumf %add3A_86, %max3A_88 : vector<16xf32>
        %swap3A_90 = arith.index_cast %scan3A_62 : i32 to index
        %swap3A_91 = arith.constant 16 : index
        %swap3A_92 = tpu.vector_load %arg10[%swap3A_90, %swap3A_91] {strides = array<i32>} : memref<80x128xf32, #tpu.memory_space<vmem>>, vector<1x16xf32>,
        %swap3A_93 = vector.shape_cast %swap3A_92 : vector<1x16xf32> to vector<16xf32>
        %swap3A_94 = vector.shape_cast %max3A_89 : vector<16xf32> to vector<1x16xf32>
        tpu.vector_store %arg10[%swap3A_90, %swap3A_91], %swap3A_94 {strides = array<i32>} : memref<80x128xf32, #tpu.memory_space<vmem>>, vector<1x16xf32>,
        %get3A_95 = arith.index_cast %scan3A_62 : i32 to index
        %get3A_96 = arith.constant 32 : index
        %get3A_97 = tpu.vector_load %arg10[%get3A_95, %get3A_96] {strides = array<i32>} : memref<80x128xf32, #tpu.memory_space<vmem>>, vector<1x16xf32>,
        %get3A_98 = vector.shape_cast %get3A_97 : vector<1x16xf32> to vector<16xf32>
        %get3A_99 = arith.index_cast %scan3A_62 : i32 to index
        %get3A_100 = arith.constant 32 : index
        %get3A_101 = tpu.vector_load %arg9[%get3A_99, %get3A_100] {strides = array<i32>} : memref<80x128xf32, #tpu.memory_space<vmem>>, vector<1x16xf32>,
        %get3A_102 = vector.shape_cast %get3A_101 : vector<1x16xf32> to vector<16xf32>
        %add3A_103 = arith.addf %get3A_98, %get3A_102 : vector<16xf32>
        %max3A_104 = arith.constant 0.000000e+00 : f32
        %max3A_105 = vector.broadcast %max3A_104 : f32 to vector<16xf32>
        %max3A_106 = arith.maximumf %add3A_103, %max3A_105 : vector<16xf32>
        %swap3A_107 = arith.index_cast %scan3A_62 : i32 to index
        %swap3A_108 = arith.constant 32 : index
        %swap3A_109 = tpu.vector_load %arg10[%swap3A_107, %swap3A_108] {strides = array<i32>} : memref<80x128xf32, #tpu.memory_space<vmem>>, vector<1x16xf32>,
        %swap3A_110 = vector.shape_cast %swap3A_109 : vector<1x16xf32> to vector<16xf32>
        %swap3A_111 = vector.shape_cast %max3A_106 : vector<16xf32> to vector<1x16xf32>
        tpu.vector_store %arg10[%swap3A_107, %swap3A_108], %swap3A_111 {strides = array<i32>} : memref<80x128xf32, #tpu.memory_space<vmem>>, vector<1x16xf32>,
        %get3A_112 = arith.index_cast %scan3A_62 : i32 to index
        %get3A_113 = arith.constant 48 : index
        %get3A_114 = tpu.vector_load %arg10[%get3A_112, %get3A_113] {strides = array<i32>} : memref<80x128xf32, #tpu.memory_space<vmem>>, vector<1x16xf32>,
        %get3A_115 = vector.shape_cast %get3A_114 : vector<1x16xf32> to vector<16xf32>
        %get3A_116 = arith.index_cast %scan3A_62 : i32 to index
        %get3A_117 = arith.constant 48 : index
        %get3A_118 = tpu.vector_load %arg9[%get3A_116, %get3A_117] {strides = array<i32>} : memref<80x128xf32, #tpu.memory_space<vmem>>, vector<1x16xf32>,
        %get3A_119 = vector.shape_cast %get3A_118 : vector<1x16xf32> to vector<16xf32>
        %add3A_120 = arith.addf %get3A_115, %get3A_119 : vector<16xf32>
        %max3A_121 = arith.constant 0.000000e+00 : f32
        %max3A_122 = vector.broadcast %max3A_121 : f32 to vector<16xf32>
        %max3A_123 = arith.maximumf %add3A_120, %max3A_122 : vector<16xf32>
        %swap3A_124 = arith.index_cast %scan3A_62 : i32 to index
        %swap3A_125 = arith.constant 48 : index
        %swap3A_126 = tpu.vector_load %arg10[%swap3A_124, %swap3A_125] {strides = array<i32>} : memref<80x128xf32, #tpu.memory_space<vmem>>, vector<1x16xf32>,
        %swap3A_127 = vector.shape_cast %swap3A_126 : vector<1x16xf32> to vector<16xf32>
        %swap3A_128 = vector.shape_cast %max3A_123 : vector<16xf32> to vector<1x16xf32>
        tpu.vector_store %arg10[%swap3A_124, %swap3A_125], %swap3A_128 {strides = array<i32>} : memref<80x128xf32, #tpu.memory_space<vmem>>, vector<1x16xf32>,
        %get3A_129 = arith.index_cast %scan3A_62 : i32 to index
        %get3A_130 = arith.constant 64 : index
        %get3A_131 = tpu.vector_load %arg10[%get3A_129, %get3A_130] {strides = array<i32>} : memref<80x128xf32, #tpu.memory_space<vmem>>, vector<1x16xf32>,
        %get3A_132 = vector.shape_cast %get3A_131 : vector<1x16xf32> to vector<16xf32>
        %get3A_133 = arith.index_cast %scan3A_62 : i32 to index
        %get3A_134 = arith.constant 64 : index
        %get3A_135 = tpu.vector_load %arg9[%get3A_133, %get3A_134] {strides = array<i32>} : memref<80x128xf32, #tpu.memory_space<vmem>>, vector<1x16xf32>,
        %get3A_136 = vector.shape_cast %get3A_135 : vector<1x16xf32> to vector<16xf32>
        %add3A_137 = arith.addf %get3A_132, %get3A_136 : vector<16xf32>
        %max3A_138 = arith.constant 0.000000e+00 : f32
        %max3A_139 = vector.broadcast %max3A_138 : f32 to vector<16xf32>
        %max3A_140 = arith.maximumf %add3A_137, %max3A_139 : vector<16xf32>
        %swap3A_141 = arith.index_cast %scan3A_62 : i32 to index
        %swap3A_142 = arith.constant 64 : index
        %swap3A_143 = tpu.vector_load %arg10[%swap3A_141, %swap3A_142] {strides = array<i32>} : memref<80x128xf32, #tpu.memory_space<vmem>>, vector<1x16xf32>,
        %swap3A_144 = vector.shape_cast %swap3A_143 : vector<1x16xf32> to vector<16xf32>
        %swap3A_145 = vector.shape_cast %max3A_140 : vector<16xf32> to vector<1x16xf32>
        tpu.vector_store %arg10[%swap3A_141, %swap3A_142], %swap3A_145 {strides = array<i32>} : memref<80x128xf32, #tpu.memory_space<vmem>>, vector<1x16xf32>,
        %get3A_146 = arith.index_cast %scan3A_62 : i32 to index
        %get3A_147 = arith.constant 80 : index
        %get3A_148 = tpu.vector_load %arg10[%get3A_146, %get3A_147] {strides = array<i32>} : memref<80x128xf32, #tpu.memory_space<vmem>>, vector<1x16xf32>,
        %get3A_149 = vector.shape_cast %get3A_148 : vector<1x16xf32> to vector<16xf32>
        %get3A_150 = arith.index_cast %scan3A_62 : i32 to index
        %get3A_151 = arith.constant 80 : index
        %get3A_152 = tpu.vector_load %arg9[%get3A_150, %get3A_151] {strides = array<i32>} : memref<80x128xf32, #tpu.memory_space<vmem>>, vector<1x16xf32>,
        %get3A_153 = vector.shape_cast %get3A_152 : vector<1x16xf32> to vector<16xf32>
        %add3A_154 = arith.addf %get3A_149, %get3A_153 : vector<16xf32>
        %max3A_155 = arith.constant 0.000000e+00 : f32
        %max3A_156 = vector.broadcast %max3A_155 : f32 to vector<16xf32>
        %max3A_157 = arith.maximumf %add3A_154, %max3A_156 : vector<16xf32>
        %swap3A_158 = arith.index_cast %scan3A_62 : i32 to index
        %swap3A_159 = arith.constant 80 : index
        %swap3A_160 = tpu.vector_load %arg10[%swap3A_158, %swap3A_159] {strides = array<i32>} : memref<80x128xf32, #tpu.memory_space<vmem>>, vector<1x16xf32>,
        %swap3A_161 = vector.shape_cast %swap3A_160 : vector<1x16xf32> to vector<16xf32>
        %swap3A_162 = vector.shape_cast %max3A_157 : vector<16xf32> to vector<1x16xf32>
        tpu.vector_store %arg10[%swap3A_158, %swap3A_159], %swap3A_162 {strides = array<i32>} : memref<80x128xf32, #tpu.memory_space<vmem>>, vector<1x16xf32>,
        %get3A_163 = arith.index_cast %scan3A_62 : i32 to index
        %get3A_164 = arith.constant 96 : index
        %get3A_165 = tpu.vector_load %arg10[%get3A_163, %get3A_164] {strides = array<i32>} : memref<80x128xf32, #tpu.memory_space<vmem>>, vector<1x16xf32>,
        %get3A_166 = vector.shape_cast %get3A_165 : vector<1x16xf32> to vector<16xf32>
        %get3A_167 = arith.index_cast %scan3A_62 : i32 to index
        %get3A_168 = arith.constant 96 : index
        %get3A_169 = tpu.vector_load %arg9[%get3A_167, %get3A_168] {strides = array<i32>} : memref<80x128xf32, #tpu.memory_space<vmem>>, vector<1x16xf32>,
        %get3A_170 = vector.shape_cast %get3A_169 : vector<1x16xf32> to vector<16xf32>
        %add3A_171 = arith.addf %get3A_166, %get3A_170 : vector<16xf32>
        %max3A_172 = arith.constant 0.000000e+00 : f32
        %max3A_173 = vector.broadcast %max3A_172 : f32 to vector<16xf32>
        %max3A_174 = arith.maximumf %add3A_171, %max3A_173 : vector<16xf32>
        %swap3A_175 = arith.index_cast %scan3A_62 : i32 to index
        %swap3A_176 = arith.constant 96 : index
        %swap3A_177 = tpu.vector_load %arg10[%swap3A_175, %swap3A_176] {strides = array<i32>} : memref<80x128xf32, #tpu.memory_space<vmem>>, vector<1x16xf32>,
        %swap3A_178 = vector.shape_cast %swap3A_177 : vector<1x16xf32> to vector<16xf32>
        %swap3A_179 = vector.shape_cast %max3A_174 : vector<16xf32> to vector<1x16xf32>
        tpu.vector_store %arg10[%swap3A_175, %swap3A_176], %swap3A_179 {strides = array<i32>} : memref<80x128xf32, #tpu.memory_space<vmem>>, vector<1x16xf32>,
        %get3A_180 = arith.index_cast %scan3A_62 : i32 to index
        %get3A_181 = arith.constant 112 : index
        %get3A_182 = tpu.vector_load %arg10[%get3A_180, %get3A_181] {strides = array<i32>} : memref<80x128xf32, #tpu.memory_space<vmem>>, vector<1x16xf32>,
        %get3A_183 = vector.shape_cast %get3A_182 : vector<1x16xf32> to vector<16xf32>
        %get3A_184 = arith.index_cast %scan3A_62 : i32 to index
        %get3A_185 = arith.constant 112 : index
        %get3A_186 = tpu.vector_load %arg9[%get3A_184, %get3A_185] {strides = array<i32>} : memref<80x128xf32, #tpu.memory_space<vmem>>, vector<1x16xf32>,
        %get3A_187 = vector.shape_cast %get3A_186 : vector<1x16xf32> to vector<16xf32>
        %add3A_188 = arith.addf %get3A_183, %get3A_187 : vector<16xf32>
        %max3A_189 = arith.constant 0.000000e+00 : f32
        %max3A_190 = vector.broadcast %max3A_189 : f32 to vector<16xf32>
        %max3A_191 = arith.maximumf %add3A_188, %max3A_190 : vector<16xf32>
        %swap3A_192 = arith.index_cast %scan3A_62 : i32 to index
        %swap3A_193 = arith.constant 112 : index
        %swap3A_194 = tpu.vector_load %arg10[%swap3A_192, %swap3A_193] {strides = array<i32>} : memref<80x128xf32, #tpu.memory_space<vmem>>, vector<1x16xf32>,
        %swap3A_195 = vector.shape_cast %swap3A_194 : vector<1x16xf32> to vector<16xf32>
        %swap3A_196 = vector.shape_cast %max3A_191 : vector<16xf32> to vector<1x16xf32>
        tpu.vector_store %arg10[%swap3A_192, %swap3A_193], %swap3A_196 {strides = array<i32>} : memref<80x128xf32, #tpu.memory_space<vmem>>, vector<1x16xf32>,
        %scan3A_197 = arith.constant 0 : i32
        scf.yield %scan3A_197 : i32
      }
      %scan3A_60 = arith.constant 80 : i32
      "tpu.region"() ({
        %run_scoped3A = tpu.sem_alloc : memref<!tpu.dma_semaphore, #tpu.memory_space<semaphore_mem>>
        %dma_start3A_62 = arith.constant 0 : i32
        %dma_start3A_63 = arith.constant 0 : i32
        %dma_start3A_64 = tpu.memref_slice %arg12[%dma_start3A_62, %dma_start3A_63] : memref<10000x128xf32, #tpu.memory_space<vmem_shared>> -> memref<10000x128xf32, #tpu.memory_space<vmem_shared>>
        tpu.enqueue_indirect_dma source(%arg10 : memref<80x128xf32, #tpu.memory_space<vmem>>) target(%dma_start3A_64 : memref<10000x128xf32, #tpu.memory_space<vmem_shared>>) offsets(%arg8 : memref<80xi32, #tpu.memory_space<vmem>>) semaphore(%run_scoped3A : memref<!tpu.dma_semaphore, #tpu.memory_space<semaphore_mem>>) {add = true}
        %dma_wait3A_65 = arith.constant 0 : i32
        %dma_wait3A_66 = arith.constant 0 : i32
        %dma_wait3A_67 = tpu.memref_slice %arg12[%dma_wait3A_65, %dma_wait3A_66] : memref<10000x128xf32, #tpu.memory_space<vmem_shared>> -> memref<10000x128xf32, #tpu.memory_space<vmem_shared>>
        tpu.wait_indirect_dma semaphore(%run_scoped3A : memref<!tpu.dma_semaphore, #tpu.memory_space<semaphore_mem>>) src(%arg10 : memref<80x128xf32, #tpu.memory_space<vmem>>) dst(%dma_wait3A_67 : memref<10000x128xf32, #tpu.memory_space<vmem_shared>>)
        tpu.yield
      }) : () -> ()
      %scan3A_61 = arith.constant 0 : i32
      scf.yield %scan3A_61 : i32
    }
    %scan3A_31 = arith.constant 125 : i32
    %barrier3A_32 = arith.constant 0 : index
    tpu.barrier barrier_id(%barrier3A_32)
    %while3A_33 = arith.constant 0 : i32
    %while3A_34 = arith.constant 0 : i32
    %while3A_35 = arith.subi %select_n3A, %while3A_33 : i32
    %while3A_36 = arith.addi %while3A_33, %while3A_35 : i32
    %while3A_37 = arith.constant 1 : i32
    %while3A_38 = arith.divsi %while3A_35, %while3A_37 : i32
    %while3A_39 = arith.muli %while3A_38, %while3A_37 : i32
    %while3A_40 = arith.addi %while3A_33, %while3A_39 : i32
    %while3A_41 = arith.constant 1 : i32
    %while3A_42 = scf.for %while3A_45 = %while3A_33 to %while3A_40 step %while3A_41 iter_args(%while3A_46 = %while3A_34) -> (i32)  : i32 {
      %mul3A_47 = arith.constant 80 : i32
      %mul3A_48 = arith.muli %while3A_45, %mul3A_47 : i32
      %add3A_49 = arith.addi %mul3A_7, %mul3A_48 : i32
      "tpu.region"() ({
        %run_scoped3A = tpu.sem_alloc : memref<!tpu.dma_semaphore, #tpu.memory_space<semaphore_mem>>
        %dma_start3A = arith.constant 0 : i32
        %dma_start3A_51 = tpu.memref_slice %arg12[%add3A_49, %dma_start3A] : memref<10000x128xf32, #tpu.memory_space<vmem_shared>> -> memref<80x128xf32, #tpu.memory_space<vmem_shared>>
        %dma_start3A_52 = arith.constant 0 : i32
        %dma_start3A_53 = tpu.memref_slice %arg12[%add3A_49, %dma_start3A_52] : memref<10000x128xf32, #tpu.memory_space<vmem_shared>> -> memref<80x128xf32, #tpu.memory_space<vmem_shared>>
        tpu.enqueue_dma source(%dma_start3A_53 : memref<80x128xf32, #tpu.memory_space<vmem_shared>>) target(%arg11 : memref<80x128xf32, #tpu.memory_space<vmem>>) target_semaphore(%run_scoped3A : memref<!tpu.dma_semaphore, #tpu.memory_space<semaphore_mem>>)
        %dma_wait3A = arith.constant 0 : i32
        %dma_wait3A_54 = tpu.memref_slice %arg12[%add3A_49, %dma_wait3A] : memref<10000x128xf32, #tpu.memory_space<vmem_shared>> -> memref<80x128xf32, #tpu.memory_space<vmem_shared>>
        %dma_wait3A_55 = arith.constant 0 : i32
        %dma_wait3A_56 = tpu.memref_slice %arg12[%add3A_49, %dma_wait3A_55] : memref<10000x128xf32, #tpu.memory_space<vmem_shared>> -> memref<80x128xf32, #tpu.memory_space<vmem_shared>>
        tpu.wait_dma2 semaphore(%run_scoped3A : memref<!tpu.dma_semaphore, #tpu.memory_space<semaphore_mem>>) src(%dma_wait3A_56 : memref<80x128xf32, #tpu.memory_space<vmem_shared>>) dst(%arg11 : memref<80x128xf32, #tpu.memory_space<vmem>>)
        tpu.yield
      }) : () -> ()
      "tpu.region"() ({
        %run_scoped3A = tpu.sem_alloc : memref<!tpu.dma_semaphore, #tpu.memory_space<semaphore_mem>>
        %dma_start3A = arith.constant 0 : i32
        %dma_start3A_51 = arith.constant 0 : i32
        %dma_start3A_52 = tpu.memref_slice %arg6[%arg0, %dma_start3A, %dma_start3A_51] : memref<2x10000x128xf32, #tpu.memory_space<hbm>> -> memref<1x10000x128xf32, #tpu.memory_space<hbm>>
        %dma_start3A_53 = tpu.memref_squeeze %dma_start3A_52 : memref<1x10000x128xf32, #tpu.memory_space<hbm>> -> memref<10000x128xf32, #tpu.memory_space<hbm>>
        %dma_start3A_54 = arith.constant 0 : i32
        %dma_start3A_55 = tpu.memref_slice %dma_start3A_53[%add3A_49, %dma_start3A_54] : memref<10000x128xf32, #tpu.memory_space<hbm>> -> memref<80x128xf32, #tpu.memory_space<hbm>>
        %dma_start3A_56 = arith.constant 0 : i32
        %dma_start3A_57 = arith.constant 0 : i32
        %dma_start3A_58 = tpu.memref_slice %arg6[%arg0, %dma_start3A_56, %dma_start3A_57] : memref<2x10000x128xf32, #tpu.memory_space<hbm>> -> memref<1x10000x128xf32, #tpu.memory_space<hbm>>
        %dma_start3A_59 = tpu.memref_squeeze %dma_start3A_58 : memref<1x10000x128xf32, #tpu.memory_space<hbm>> -> memref<10000x128xf32, #tpu.memory_space<hbm>>
        %dma_start3A_60 = arith.constant 0 : i32
        %dma_start3A_61 = tpu.memref_slice %dma_start3A_59[%add3A_49, %dma_start3A_60] : memref<10000x128xf32, #tpu.memory_space<hbm>> -> memref<80x128xf32, #tpu.memory_space<hbm>>
        tpu.enqueue_dma source(%arg11 : memref<80x128xf32, #tpu.memory_space<vmem>>) target(%dma_start3A_61 : memref<80x128xf32, #tpu.memory_space<hbm>>) target_semaphore(%run_scoped3A : memref<!tpu.dma_semaphore, #tpu.memory_space<semaphore_mem>>)
        %dma_wait3A = arith.constant 0 : i32
        %dma_wait3A_62 = arith.constant 0 : i32
        %dma_wait3A_63 = tpu.memref_slice %arg6[%arg0, %dma_wait3A, %dma_wait3A_62] : memref<2x10000x128xf32, #tpu.memory_space<hbm>> -> memref<1x10000x128xf32, #tpu.memory_space<hbm>>
        %dma_wait3A_64 = tpu.memref_squeeze %dma_wait3A_63 : memref<1x10000x128xf32, #tpu.memory_space<hbm>> -> memref<10000x128xf32, #tpu.memory_space<hbm>>
        %dma_wait3A_65 = arith.constant 0 : i32
        %dma_wait3A_66 = tpu.memref_slice %dma_wait3A_64[%add3A_49, %dma_wait3A_65] : memref<10000x128xf32, #tpu.memory_space<hbm>> -> memref<80x128xf32, #tpu.memory_space<hbm>>
        %dma_wait3A_67 = arith.constant 0 : i32
        %dma_wait3A_68 = arith.constant 0 : i32
        %dma_wait3A_69 = tpu.memref_slice %arg6[%arg0, %dma_wait3A_67, %dma_wait3A_68] : memref<2x10000x128xf32, #tpu.memory_space<hbm>> -> memref<1x10000x128xf32, #tpu.memory_space<hbm>>
        %dma_wait3A_70 = tpu.memref_squeeze %dma_wait3A_69 : memref<1x10000x128xf32, #tpu.memory_space<hbm>> -> memref<10000x128xf32, #tpu.memory_space<hbm>>
        %dma_wait3A_71 = arith.constant 0 : i32
        %dma_wait3A_72 = tpu.memref_slice %dma_wait3A_70[%add3A_49, %dma_wait3A_71] : memref<10000x128xf32, #tpu.memory_space<hbm>> -> memref<80x128xf32, #tpu.memory_space<hbm>>
        tpu.wait_dma2 semaphore(%run_scoped3A : memref<!tpu.dma_semaphore, #tpu.memory_space<semaphore_mem>>) src(%arg11 : memref<80x128xf32, #tpu.memory_space<vmem>>) dst(%dma_wait3A_72 : memref<80x128xf32, #tpu.memory_space<hbm>>)
        tpu.yield
      }) : () -> ()
      %while3A_50 = arith.constant 0 : i32
      scf.yield %while3A_50 : i32
    }
    %while3A_43 = arith.constant 1 : i32
    %while3A_44 = scf.for %while3A_45 = %while3A_40 to %while3A_36 step %while3A_43 iter_args(%while3A_46 = %while3A_42) -> (i32)  : i32 {
      %mul3A_47 = arith.constant 80 : i32
      %mul3A_48 = arith.muli %while3A_45, %mul3A_47 : i32
      %add3A_49 = arith.addi %mul3A_7, %mul3A_48 : i32
      "tpu.region"() ({
        %run_scoped3A = tpu.sem_alloc : memref<!tpu.dma_semaphore, #tpu.memory_space<semaphore_mem>>
        %dma_start3A = arith.constant 0 : i32
        %dma_start3A_51 = tpu.memref_slice %arg12[%add3A_49, %dma_start3A] : memref<10000x128xf32, #tpu.memory_space<vmem_shared>> -> memref<80x128xf32, #tpu.memory_space<vmem_shared>>
        %dma_start3A_52 = arith.constant 0 : i32
        %dma_start3A_53 = tpu.memref_slice %arg12[%add3A_49, %dma_start3A_52] : memref<10000x128xf32, #tpu.memory_space<vmem_shared>> -> memref<80x128xf32, #tpu.memory_space<vmem_shared>>
        tpu.enqueue_dma source(%dma_start3A_53 : memref<80x128xf32, #tpu.memory_space<vmem_shared>>) target(%arg11 : memref<80x128xf32, #tpu.memory_space<vmem>>) target_semaphore(%run_scoped3A : memref<!tpu.dma_semaphore, #tpu.memory_space<semaphore_mem>>)
        %dma_wait3A = arith.constant 0 : i32
        %dma_wait3A_54 = tpu.memref_slice %arg12[%add3A_49, %dma_wait3A] : memref<10000x128xf32, #tpu.memory_space<vmem_shared>> -> memref<80x128xf32, #tpu.memory_space<vmem_shared>>
        %dma_wait3A_55 = arith.constant 0 : i32
        %dma_wait3A_56 = tpu.memref_slice %arg12[%add3A_49, %dma_wait3A_55] : memref<10000x128xf32, #tpu.memory_space<vmem_shared>> -> memref<80x128xf32, #tpu.memory_space<vmem_shared>>
        tpu.wait_dma2 semaphore(%run_scoped3A : memref<!tpu.dma_semaphore, #tpu.memory_space<semaphore_mem>>) src(%dma_wait3A_56 : memref<80x128xf32, #tpu.memory_space<vmem_shared>>) dst(%arg11 : memref<80x128xf32, #tpu.memory_space<vmem>>)
        tpu.yield
      }) : () -> ()
      "tpu.region"() ({
        %run_scoped3A = tpu.sem_alloc : memref<!tpu.dma_semaphore, #tpu.memory_space<semaphore_mem>>
        %dma_start3A = arith.constant 0 : i32
        %dma_start3A_51 = arith.constant 0 : i32
        %dma_start3A_52 = tpu.memref_slice %arg6[%arg0, %dma_start3A, %dma_start3A_51] : memref<2x10000x128xf32, #tpu.memory_space<hbm>> -> memref<1x10000x128xf32, #tpu.memory_space<hbm>>
        %dma_start3A_53 = tpu.memref_squeeze %dma_start3A_52 : memref<1x10000x128xf32, #tpu.memory_space<hbm>> -> memref<10000x128xf32, #tpu.memory_space<hbm>>
        %dma_start3A_54 = arith.constant 0 : i32
        %dma_start3A_55 = tpu.memref_slice %dma_start3A_53[%add3A_49, %dma_start3A_54] : memref<10000x128xf32, #tpu.memory_space<hbm>> -> memref<80x128xf32, #tpu.memory_space<hbm>>
        %dma_start3A_56 = arith.constant 0 : i32
        %dma_start3A_57 = arith.constant 0 : i32
        %dma_start3A_58 = tpu.memref_slice %arg6[%arg0, %dma_start3A_56, %dma_start3A_57] : memref<2x10000x128xf32, #tpu.memory_space<hbm>> -> memref<1x10000x128xf32, #tpu.memory_space<hbm>>
        %dma_start3A_59 = tpu.memref_squeeze %dma_start3A_58 : memref<1x10000x128xf32, #tpu.memory_space<hbm>> -> memref<10000x128xf32, #tpu.memory_space<hbm>>
        %dma_start3A_60 = arith.constant 0 : i32
        %dma_start3A_61 = tpu.memref_slice %dma_start3A_59[%add3A_49, %dma_start3A_60] : memref<10000x128xf32, #tpu.memory_space<hbm>> -> memref<80x128xf32, #tpu.memory_space<hbm>>
        tpu.enqueue_dma source(%arg11 : memref<80x128xf32, #tpu.memory_space<vmem>>) target(%dma_start3A_61 : memref<80x128xf32, #tpu.memory_space<hbm>>) target_semaphore(%run_scoped3A : memref<!tpu.dma_semaphore, #tpu.memory_space<semaphore_mem>>)
        %dma_wait3A = arith.constant 0 : i32
        %dma_wait3A_62 = arith.constant 0 : i32
        %dma_wait3A_63 = tpu.memref_slice %arg6[%arg0, %dma_wait3A, %dma_wait3A_62] : memref<2x10000x128xf32, #tpu.memory_space<hbm>> -> memref<1x10000x128xf32, #tpu.memory_space<hbm>>
        %dma_wait3A_64 = tpu.memref_squeeze %dma_wait3A_63 : memref<1x10000x128xf32, #tpu.memory_space<hbm>> -> memref<10000x128xf32, #tpu.memory_space<hbm>>
        %dma_wait3A_65 = arith.constant 0 : i32
        %dma_wait3A_66 = tpu.memref_slice %dma_wait3A_64[%add3A_49, %dma_wait3A_65] : memref<10000x128xf32, #tpu.memory_space<hbm>> -> memref<80x128xf32, #tpu.memory_space<hbm>>
        %dma_wait3A_67 = arith.constant 0 : i32
        %dma_wait3A_68 = arith.constant 0 : i32
        %dma_wait3A_69 = tpu.memref_slice %arg6[%arg0, %dma_wait3A_67, %dma_wait3A_68] : memref<2x10000x128xf32, #tpu.memory_space<hbm>> -> memref<1x10000x128xf32, #tpu.memory_space<hbm>>
        %dma_wait3A_70 = tpu.memref_squeeze %dma_wait3A_69 : memref<1x10000x128xf32, #tpu.memory_space<hbm>> -> memref<10000x128xf32, #tpu.memory_space<hbm>>
        %dma_wait3A_71 = arith.constant 0 : i32
        %dma_wait3A_72 = tpu.memref_slice %dma_wait3A_70[%add3A_49, %dma_wait3A_71] : memref<10000x128xf32, #tpu.memory_space<hbm>> -> memref<80x128xf32, #tpu.memory_space<hbm>>
        tpu.wait_dma2 semaphore(%run_scoped3A : memref<!tpu.dma_semaphore, #tpu.memory_space<semaphore_mem>>) src(%arg11 : memref<80x128xf32, #tpu.memory_space<vmem>>) dst(%dma_wait3A_72 : memref<80x128xf32, #tpu.memory_space<hbm>>)
        tpu.yield
      }) : () -> ()
      %while3A_50 = arith.constant 0 : i32
      scf.yield %while3A_50 : i32
    }
    return
  }
}

module attributes {stable_mosaic.version = 14 : i64} {
  func.func @_mlp_body(%arg0: memref<10000x128xf32, #tpu.memory_space<vmem>>, %arg1: memref<2x10000x128xf32, #tpu.memory_space<vmem>>, %arg2: memref<128x128xf32, #tpu.memory_space<vmem>>, %arg3: memref<1x128xf32, #tpu.memory_space<vmem>>, %arg4: memref<1x128xf32, #tpu.memory_space<vmem>>, %arg5: memref<1x128xf32, #tpu.memory_space<vmem>>, %arg6: memref<128x128xf32, #tpu.memory_space<vmem>>, %arg7: memref<1x128xf32, #tpu.memory_space<vmem>>, %arg8: memref<10000x128xf32, #tpu.memory_space<vmem>>) attributes {dimension_semantics = [], scalar_prefetch = 0 : i64, scratch_operands = 0 : i64, tpu.core_type = #tpu.core_type<tc>} {
    %get3A = arith.constant 0 : index
    %get3A_0 = arith.constant 0 : index
    %get3A_1 = vector.load %arg0[%get3A, %get3A_0] : memref<10000x128xf32, #tpu.memory_space<vmem>>, vector<10000x128xf32>
    %get3A_2 = arith.constant 0 : index
    %get3A_3 = arith.constant 0 : index
    %get3A_4 = arith.constant 0 : index
    %get3A_5 = vector.load %arg1[%get3A_2, %get3A_3, %get3A_4] : memref<2x10000x128xf32, #tpu.memory_space<vmem>>, vector<1x10000x128xf32>
    %get3A_6 = vector.shape_cast %get3A_5 : vector<1x10000x128xf32> to vector<10000x128xf32>
    %add3A = arith.addf %get3A_1, %get3A_6 : vector<10000x128xf32>
    %get3A_7 = arith.constant 1 : index
    %get3A_8 = arith.constant 0 : index
    %get3A_9 = arith.constant 0 : index
    %get3A_10 = vector.load %arg1[%get3A_7, %get3A_8, %get3A_9] : memref<2x10000x128xf32, #tpu.memory_space<vmem>>, vector<1x10000x128xf32>
    %get3A_11 = vector.shape_cast %get3A_10 : vector<1x10000x128xf32> to vector<10000x128xf32>
    %add3A_12 = arith.addf %add3A, %get3A_11 : vector<10000x128xf32>
    %get3A_13 = arith.constant 0 : index
    %get3A_14 = arith.constant 0 : index
    %get3A_15 = vector.load %arg2[%get3A_13, %get3A_14] : memref<128x128xf32, #tpu.memory_space<vmem>>, vector<128x128xf32>
    %dot_general3A = arith.constant dense<0.000000e+00> : vector<10000x128xf32>
    %dot_general3A_16 = tpu.matmul %add3A_12, %get3A_15, %dot_general3A {dimension_numbers = #tpu.dot_dimension_numbers<[1], [0], [0], [1], [0, 0, 1, 1], [], []>, transpose_lhs_hint = false} : vector<10000x128xf32>, vector<128x128xf32>, vector<10000x128xf32> -> vector<10000x128xf32>
    %get3A_17 = arith.constant 0 : index
    %get3A_18 = arith.constant 0 : index
    %get3A_19 = vector.load %arg3[%get3A_17, %get3A_18] : memref<1x128xf32, #tpu.memory_space<vmem>>, vector<1x128xf32>
    %add3A_20 = vector.broadcast %get3A_19 : vector<1x128xf32> to vector<10000x128xf32>
    %add3A_21 = arith.addf %dot_general3A_16, %add3A_20 : vector<10000x128xf32>
    %reduce_sum3A = arith.constant dense<0.000000e+00> : vector<128xf32>
    %reduce_sum3A_22 = vector.multi_reduction <add>, %add3A_21, %reduce_sum3A [0] : vector<10000x128xf32> to vector<128xf32>
    %broadcast_in_dim3A = vector.shape_cast %reduce_sum3A_22 : vector<128xf32> to vector<1x128xf32>
    %div3A = arith.constant 1.000000e+04 : f32
    %div3A_23 = vector.broadcast %div3A : f32 to vector<1x128xf32>
    %div3A_24 = arith.divf %broadcast_in_dim3A, %div3A_23 : vector<1x128xf32>
    %sub3A = vector.broadcast %div3A_24 : vector<1x128xf32> to vector<10000x128xf32>
    %sub3A_25 = arith.subf %add3A_21, %sub3A : vector<10000x128xf32>
    %mul3A = arith.mulf %sub3A_25, %sub3A_25 : vector<10000x128xf32>
    %reduce_sum3A_26 = arith.constant dense<0.000000e+00> : vector<128xf32>
    %reduce_sum3A_27 = vector.multi_reduction <add>, %mul3A, %reduce_sum3A_26 [0] : vector<10000x128xf32> to vector<128xf32>
    %broadcast_in_dim3A_28 = vector.shape_cast %reduce_sum3A_27 : vector<128xf32> to vector<1x128xf32>
    %div3A_29 = arith.constant 1.000000e+04 : f32
    %div3A_30 = vector.broadcast %div3A_29 : f32 to vector<1x128xf32>
    %div3A_31 = arith.divf %broadcast_in_dim3A_28, %div3A_30 : vector<1x128xf32>
    %get3A_32 = arith.constant 0 : index
    %get3A_33 = arith.constant 0 : index
    %get3A_34 = vector.load %arg4[%get3A_32, %get3A_33] : memref<1x128xf32, #tpu.memory_space<vmem>>, vector<1x128xf32>
    %add3A_35 = arith.constant 9.99999974E-6 : f32
    %add3A_36 = vector.broadcast %add3A_35 : f32 to vector<1x128xf32>
    %add3A_37 = arith.addf %div3A_31, %add3A_36 : vector<1x128xf32>
    %rsqrt3A = math.rsqrt %add3A_37 : vector<1x128xf32>
    %mul3A_38 = arith.mulf %get3A_34, %rsqrt3A : vector<1x128xf32>
    %mul3A_39 = vector.broadcast %mul3A_38 : vector<1x128xf32> to vector<10000x128xf32>
    %mul3A_40 = arith.mulf %sub3A_25, %mul3A_39 : vector<10000x128xf32>
    %get3A_41 = arith.constant 0 : index
    %get3A_42 = arith.constant 0 : index
    %get3A_43 = vector.load %arg5[%get3A_41, %get3A_42] : memref<1x128xf32, #tpu.memory_space<vmem>>, vector<1x128xf32>
    %add3A_44 = vector.broadcast %get3A_43 : vector<1x128xf32> to vector<10000x128xf32>
    %add3A_45 = arith.addf %mul3A_40, %add3A_44 : vector<10000x128xf32>
    %max3A = arith.constant 0.000000e+00 : f32
    %max3A_46 = vector.broadcast %max3A : f32 to vector<10000x128xf32>
    %max3A_47 = arith.maximumf %add3A_45, %max3A_46 : vector<10000x128xf32>
    %get3A_48 = arith.constant 0 : index
    %get3A_49 = arith.constant 0 : index
    %get3A_50 = vector.load %arg6[%get3A_48, %get3A_49] : memref<128x128xf32, #tpu.memory_space<vmem>>, vector<128x128xf32>
    %dot_general3A_51 = arith.constant dense<0.000000e+00> : vector<10000x128xf32>
    %dot_general3A_52 = tpu.matmul %max3A_47, %get3A_50, %dot_general3A_51 {dimension_numbers = #tpu.dot_dimension_numbers<[1], [0], [0], [1], [0, 0, 1, 1], [], []>, transpose_lhs_hint = false} : vector<10000x128xf32>, vector<128x128xf32>, vector<10000x128xf32> -> vector<10000x128xf32>
    %get3A_53 = arith.constant 0 : index
    %get3A_54 = arith.constant 0 : index
    %get3A_55 = vector.load %arg7[%get3A_53, %get3A_54] : memref<1x128xf32, #tpu.memory_space<vmem>>, vector<1x128xf32>
    %add3A_56 = vector.broadcast %get3A_55 : vector<1x128xf32> to vector<10000x128xf32>
    %add3A_57 = arith.addf %dot_general3A_52, %add3A_56 : vector<10000x128xf32>
    %max3A_58 = arith.constant 0.000000e+00 : f32
    %max3A_59 = vector.broadcast %max3A_58 : f32 to vector<10000x128xf32>
    %max3A_60 = arith.maximumf %add3A_57, %max3A_59 : vector<10000x128xf32>
    %swap3A = arith.constant 0 : index
    %swap3A_61 = arith.constant 0 : index
    %swap3A_62 = vector.load %arg8[%swap3A, %swap3A_61] : memref<10000x128xf32, #tpu.memory_space<vmem>>, vector<10000x128xf32>
    tpu.vector_store %arg8[%swap3A, %swap3A_61], %max3A_60 {strides = array<i32>} : memref<10000x128xf32, #tpu.memory_space<vmem>>, vector<10000x128xf32>,
    return
  }
}

module attributes {stable_mosaic.version = 14 : i64} {
  func.func @_ea_body(%arg0: i32, %arg1: memref<4000x16xf32, #tpu.memory_space<vmem>>, %arg2: memref<16x128xf32, #tpu.memory_space<vmem>>, %arg3: memref<1x128xf32, #tpu.memory_space<vmem>>, %arg4: memref<16x128xf32, #tpu.memory_space<vmem>>, %arg5: memref<1x128xf32, #tpu.memory_space<vmem>>, %arg6: memref<4000x128xf32, #tpu.memory_space<vmem>>, %arg7: memref<4000x128xf32, #tpu.memory_space<vmem>>) attributes {dimension_semantics = [#tpu.dimension_semantics<arbitrary>], iteration_bounds = array<i64: 80>, scalar_prefetch = 0 : i64, scratch_operands = 0 : i64, tpu.core_type = #tpu.core_type<tc>, window_params = [{transform_indices = @transform_0, window_bounds = array<i64: 4000, 16>}, {pipeline_mode = #tpu.pipeline_mode<synchronous>, transform_indices = @transform_1, window_bounds = array<i64: 16, 128>}, {pipeline_mode = #tpu.pipeline_mode<synchronous>, transform_indices = @transform_2, window_bounds = array<i64: 1, 128>}, {pipeline_mode = #tpu.pipeline_mode<synchronous>, transform_indices = @transform_3, window_bounds = array<i64: 16, 128>}, {pipeline_mode = #tpu.pipeline_mode<synchronous>, transform_indices = @transform_4, window_bounds = array<i64: 1, 128>}, {transform_indices = @transform_5, window_bounds = array<i64: 4000, 128>}, {transform_indices = @transform_6, window_bounds = array<i64: 4000, 128>}]} {
    %get3A = arith.constant 0 : index
    %get3A_0 = arith.constant 0 : index
    %get3A_1 = vector.load %arg1[%get3A, %get3A_0] : memref<4000x16xf32, #tpu.memory_space<vmem>>, vector<4000x16xf32>
    %get3A_2 = arith.constant 0 : index
    %get3A_3 = arith.constant 0 : index
    %get3A_4 = vector.load %arg2[%get3A_2, %get3A_3] : memref<16x128xf32, #tpu.memory_space<vmem>>, vector<16x128xf32>
    %dot_general3A = arith.constant dense<0.000000e+00> : vector<4000x128xf32>
    %dot_general3A_5 = tpu.matmul %get3A_1, %get3A_4, %dot_general3A {dimension_numbers = #tpu.dot_dimension_numbers<[1], [0], [0], [1], [0, 0, 1, 1], [], []>, transpose_lhs_hint = false} : vector<4000x16xf32>, vector<16x128xf32>, vector<4000x128xf32> -> vector<4000x128xf32>
    %get3A_6 = arith.constant 0 : index
    %get3A_7 = arith.constant 0 : index
    %get3A_8 = vector.load %arg3[%get3A_6, %get3A_7] : memref<1x128xf32, #tpu.memory_space<vmem>>, vector<1x128xf32>
    %add3A = vector.broadcast %get3A_8 : vector<1x128xf32> to vector<4000x128xf32>
    %add3A_9 = arith.addf %dot_general3A_5, %add3A : vector<4000x128xf32>
    %swap3A = arith.constant 0 : index
    %swap3A_10 = arith.constant 0 : index
    %swap3A_11 = vector.load %arg6[%swap3A, %swap3A_10] : memref<4000x128xf32, #tpu.memory_space<vmem>>, vector<4000x128xf32>
    tpu.vector_store %arg6[%swap3A, %swap3A_10], %add3A_9 {strides = array<i32>} : memref<4000x128xf32, #tpu.memory_space<vmem>>, vector<4000x128xf32>,
    %get3A_12 = arith.constant 0 : index
    %get3A_13 = arith.constant 0 : index
    %get3A_14 = vector.load %arg4[%get3A_12, %get3A_13] : memref<16x128xf32, #tpu.memory_space<vmem>>, vector<16x128xf32>
    %dot_general3A_15 = arith.constant dense<0.000000e+00> : vector<4000x128xf32>
    %dot_general3A_16 = tpu.matmul %get3A_1, %get3A_14, %dot_general3A_15 {dimension_numbers = #tpu.dot_dimension_numbers<[1], [0], [0], [1], [0, 0, 1, 1], [], []>, transpose_lhs_hint = false} : vector<4000x16xf32>, vector<16x128xf32>, vector<4000x128xf32> -> vector<4000x128xf32>
    %get3A_17 = arith.constant 0 : index
    %get3A_18 = arith.constant 0 : index
    %get3A_19 = vector.load %arg5[%get3A_17, %get3A_18] : memref<1x128xf32, #tpu.memory_space<vmem>>, vector<1x128xf32>
    %add3A_20 = vector.broadcast %get3A_19 : vector<1x128xf32> to vector<4000x128xf32>
    %add3A_21 = arith.addf %dot_general3A_16, %add3A_20 : vector<4000x128xf32>
    %swap3A_22 = arith.constant 0 : index
    %swap3A_23 = arith.constant 0 : index
    %swap3A_24 = vector.load %arg7[%swap3A_22, %swap3A_23] : memref<4000x128xf32, #tpu.memory_space<vmem>>, vector<4000x128xf32>
    tpu.vector_store %arg7[%swap3A_22, %swap3A_23], %add3A_21 {strides = array<i32>} : memref<4000x128xf32, #tpu.memory_space<vmem>>, vector<4000x128xf32>,
    return
  }
  func.func @transform_0(%arg0: i32) -> (i32, i32) {
    %c0_i32 = arith.constant 0 : i32
    %c0_i32_0 = arith.constant 0 : i32
    return %arg0, %c0_i32 : i32, i32
  }
  func.func @transform_1(%arg0: i32) -> (i32, i32) {
    %c0_i32 = arith.constant 0 : i32
    %c0_i32_0 = arith.constant 0 : i32
    %c0_i32_1 = arith.constant 0 : i32
    return %c0_i32, %c0_i32_0 : i32, i32
  }
  func.func @transform_2(%arg0: i32) -> (i32, i32) {
    %c0_i32 = arith.constant 0 : i32
    %c0_i32_0 = arith.constant 0 : i32
    %c0_i32_1 = arith.constant 0 : i32
    return %c0_i32, %c0_i32_0 : i32, i32
  }
  func.func @transform_3(%arg0: i32) -> (i32, i32) {
    %c0_i32 = arith.constant 0 : i32
    %c0_i32_0 = arith.constant 0 : i32
    %c0_i32_1 = arith.constant 0 : i32
    return %c0_i32, %c0_i32_0 : i32, i32
  }
  func.func @transform_4(%arg0: i32) -> (i32, i32) {
    %c0_i32 = arith.constant 0 : i32
    %c0_i32_0 = arith.constant 0 : i32
    %c0_i32_1 = arith.constant 0 : i32
    return %c0_i32, %c0_i32_0 : i32, i32
  }
  func.func @transform_5(%arg0: i32) -> (i32, i32) {
    %c0_i32 = arith.constant 0 : i32
    %c0_i32_0 = arith.constant 0 : i32
    return %arg0, %c0_i32 : i32, i32
  }
  func.func @transform_6(%arg0: i32) -> (i32, i32) {
    %c0_i32 = arith.constant 0 : i32
    %c0_i32_0 = arith.constant 0 : i32
    return %arg0, %c0_i32 : i32, i32
  }
}

module attributes {stable_mosaic.version = 14 : i64} {
  func.func @_final_body(%arg0: memref<10000x128xf32, #tpu.memory_space<vmem>>, %arg1: memref<2x10000x128xf32, #tpu.memory_space<vmem>>, %arg2: memref<128x128xf32, #tpu.memory_space<vmem>>, %arg3: memref<1x128xf32, #tpu.memory_space<vmem>>, %arg4: memref<1x128xf32, #tpu.memory_space<vmem>>, %arg5: memref<1x128xf32, #tpu.memory_space<vmem>>, %arg6: memref<128x128xf32, #tpu.memory_space<vmem>>, %arg7: memref<1x128xf32, #tpu.memory_space<vmem>>, %arg8: memref<128x64xf32, #tpu.memory_space<vmem>>, %arg9: memref<64x4xf32, #tpu.memory_space<vmem>>, %arg10: memref<1x10000xi32, #tpu.memory_space<vmem>>, %arg11: memref<10000x4xf32, #tpu.memory_space<vmem>>) attributes {dimension_semantics = [], scalar_prefetch = 0 : i64, scratch_operands = 0 : i64, tpu.core_type = #tpu.core_type<tc>} {
    %get3A = arith.constant 0 : index
    %get3A_0 = arith.constant 0 : index
    %get3A_1 = vector.load %arg0[%get3A, %get3A_0] : memref<10000x128xf32, #tpu.memory_space<vmem>>, vector<10000x128xf32>
    %get3A_2 = arith.constant 0 : index
    %get3A_3 = arith.constant 0 : index
    %get3A_4 = arith.constant 0 : index
    %get3A_5 = vector.load %arg1[%get3A_2, %get3A_3, %get3A_4] : memref<2x10000x128xf32, #tpu.memory_space<vmem>>, vector<1x10000x128xf32>
    %get3A_6 = vector.shape_cast %get3A_5 : vector<1x10000x128xf32> to vector<10000x128xf32>
    %add3A = arith.addf %get3A_1, %get3A_6 : vector<10000x128xf32>
    %get3A_7 = arith.constant 1 : index
    %get3A_8 = arith.constant 0 : index
    %get3A_9 = arith.constant 0 : index
    %get3A_10 = vector.load %arg1[%get3A_7, %get3A_8, %get3A_9] : memref<2x10000x128xf32, #tpu.memory_space<vmem>>, vector<1x10000x128xf32>
    %get3A_11 = vector.shape_cast %get3A_10 : vector<1x10000x128xf32> to vector<10000x128xf32>
    %add3A_12 = arith.addf %add3A, %get3A_11 : vector<10000x128xf32>
    %get3A_13 = arith.constant 0 : index
    %get3A_14 = arith.constant 0 : index
    %get3A_15 = vector.load %arg2[%get3A_13, %get3A_14] : memref<128x128xf32, #tpu.memory_space<vmem>>, vector<128x128xf32>
    %dot_general3A = arith.constant dense<0.000000e+00> : vector<10000x128xf32>
    %dot_general3A_16 = tpu.matmul %add3A_12, %get3A_15, %dot_general3A {dimension_numbers = #tpu.dot_dimension_numbers<[1], [0], [0], [1], [0, 0, 1, 1], [], []>, transpose_lhs_hint = false} : vector<10000x128xf32>, vector<128x128xf32>, vector<10000x128xf32> -> vector<10000x128xf32>
    %get3A_17 = arith.constant 0 : index
    %get3A_18 = arith.constant 0 : index
    %get3A_19 = vector.load %arg3[%get3A_17, %get3A_18] : memref<1x128xf32, #tpu.memory_space<vmem>>, vector<1x128xf32>
    %add3A_20 = vector.broadcast %get3A_19 : vector<1x128xf32> to vector<10000x128xf32>
    %add3A_21 = arith.addf %dot_general3A_16, %add3A_20 : vector<10000x128xf32>
    %reduce_sum3A = arith.constant dense<0.000000e+00> : vector<128xf32>
    %reduce_sum3A_22 = vector.multi_reduction <add>, %add3A_21, %reduce_sum3A [0] : vector<10000x128xf32> to vector<128xf32>
    %broadcast_in_dim3A = vector.shape_cast %reduce_sum3A_22 : vector<128xf32> to vector<1x128xf32>
    %div3A = arith.constant 1.000000e+04 : f32
    %div3A_23 = vector.broadcast %div3A : f32 to vector<1x128xf32>
    %div3A_24 = arith.divf %broadcast_in_dim3A, %div3A_23 : vector<1x128xf32>
    %sub3A = vector.broadcast %div3A_24 : vector<1x128xf32> to vector<10000x128xf32>
    %sub3A_25 = arith.subf %add3A_21, %sub3A : vector<10000x128xf32>
    %mul3A = arith.mulf %sub3A_25, %sub3A_25 : vector<10000x128xf32>
    %reduce_sum3A_26 = arith.constant dense<0.000000e+00> : vector<128xf32>
    %reduce_sum3A_27 = vector.multi_reduction <add>, %mul3A, %reduce_sum3A_26 [0] : vector<10000x128xf32> to vector<128xf32>
    %broadcast_in_dim3A_28 = vector.shape_cast %reduce_sum3A_27 : vector<128xf32> to vector<1x128xf32>
    %div3A_29 = arith.constant 1.000000e+04 : f32
    %div3A_30 = vector.broadcast %div3A_29 : f32 to vector<1x128xf32>
    %div3A_31 = arith.divf %broadcast_in_dim3A_28, %div3A_30 : vector<1x128xf32>
    %get3A_32 = arith.constant 0 : index
    %get3A_33 = arith.constant 0 : index
    %get3A_34 = vector.load %arg4[%get3A_32, %get3A_33] : memref<1x128xf32, #tpu.memory_space<vmem>>, vector<1x128xf32>
    %add3A_35 = arith.constant 9.99999974E-6 : f32
    %add3A_36 = vector.broadcast %add3A_35 : f32 to vector<1x128xf32>
    %add3A_37 = arith.addf %div3A_31, %add3A_36 : vector<1x128xf32>
    %rsqrt3A = math.rsqrt %add3A_37 : vector<1x128xf32>
    %mul3A_38 = arith.mulf %get3A_34, %rsqrt3A : vector<1x128xf32>
    %mul3A_39 = vector.broadcast %mul3A_38 : vector<1x128xf32> to vector<10000x128xf32>
    %mul3A_40 = arith.mulf %sub3A_25, %mul3A_39 : vector<10000x128xf32>
    %get3A_41 = arith.constant 0 : index
    %get3A_42 = arith.constant 0 : index
    %get3A_43 = vector.load %arg5[%get3A_41, %get3A_42] : memref<1x128xf32, #tpu.memory_space<vmem>>, vector<1x128xf32>
    %add3A_44 = vector.broadcast %get3A_43 : vector<1x128xf32> to vector<10000x128xf32>
    %add3A_45 = arith.addf %mul3A_40, %add3A_44 : vector<10000x128xf32>
    %max3A = arith.constant 0.000000e+00 : f32
    %max3A_46 = vector.broadcast %max3A : f32 to vector<10000x128xf32>
    %max3A_47 = arith.maximumf %add3A_45, %max3A_46 : vector<10000x128xf32>
    %get3A_48 = arith.constant 0 : index
    %get3A_49 = arith.constant 0 : index
    %get3A_50 = vector.load %arg6[%get3A_48, %get3A_49] : memref<128x128xf32, #tpu.memory_space<vmem>>, vector<128x128xf32>
    %dot_general3A_51 = arith.constant dense<0.000000e+00> : vector<10000x128xf32>
    %dot_general3A_52 = tpu.matmul %max3A_47, %get3A_50, %dot_general3A_51 {dimension_numbers = #tpu.dot_dimension_numbers<[1], [0], [0], [1], [0, 0, 1, 1], [], []>, transpose_lhs_hint = false} : vector<10000x128xf32>, vector<128x128xf32>, vector<10000x128xf32> -> vector<10000x128xf32>
    %get3A_53 = arith.constant 0 : index
    %get3A_54 = arith.constant 0 : index
    %get3A_55 = vector.load %arg7[%get3A_53, %get3A_54] : memref<1x128xf32, #tpu.memory_space<vmem>>, vector<1x128xf32>
    %add3A_56 = vector.broadcast %get3A_55 : vector<1x128xf32> to vector<10000x128xf32>
    %add3A_57 = arith.addf %dot_general3A_52, %add3A_56 : vector<10000x128xf32>
    %max3A_58 = arith.constant 0.000000e+00 : f32
    %max3A_59 = vector.broadcast %max3A_58 : f32 to vector<10000x128xf32>
    %max3A_60 = arith.maximumf %add3A_57, %max3A_59 : vector<10000x128xf32>
    %get3A_61 = arith.constant 0 : index
    %get3A_62 = arith.constant 0 : index
    %get3A_63 = vector.load %arg8[%get3A_61, %get3A_62] : memref<128x64xf32, #tpu.memory_space<vmem>>, vector<128x64xf32>
    %dot_general3A_64 = arith.constant dense<0.000000e+00> : vector<10000x64xf32>
    %dot_general3A_65 = tpu.matmul %max3A_60, %get3A_63, %dot_general3A_64 {dimension_numbers = #tpu.dot_dimension_numbers<[1], [0], [0], [1], [0, 0, 1, 1], [], []>, transpose_lhs_hint = false} : vector<10000x128xf32>, vector<128x64xf32>, vector<10000x64xf32> -> vector<10000x64xf32>
    %max3A_66 = arith.constant 0.000000e+00 : f32
    %max3A_67 = vector.broadcast %max3A_66 : f32 to vector<10000x64xf32>
    %max3A_68 = arith.maximumf %dot_general3A_65, %max3A_67 : vector<10000x64xf32>
    %get3A_69 = arith.constant 0 : index
    %get3A_70 = arith.constant 0 : index
    %get3A_71 = vector.load %arg9[%get3A_69, %get3A_70] : memref<64x4xf32, #tpu.memory_space<vmem>>, vector<64x4xf32>
    %dot_general3A_72 = arith.constant dense<0.000000e+00> : vector<10000x4xf32>
    %dot_general3A_73 = tpu.matmul %max3A_68, %get3A_71, %dot_general3A_72 {dimension_numbers = #tpu.dot_dimension_numbers<[1], [0], [0], [1], [0, 0, 1, 1], [], []>, transpose_lhs_hint = false} : vector<10000x64xf32>, vector<64x4xf32>, vector<10000x4xf32> -> vector<10000x4xf32>
    %max3A_74 = arith.constant 0.000000e+00 : f32
    %max3A_75 = vector.broadcast %max3A_74 : f32 to vector<10000x4xf32>
    %max3A_76 = arith.maximumf %dot_general3A_73, %max3A_75 : vector<10000x4xf32>
    %get3A_77 = arith.constant 0 : index
    %get3A_78 = arith.constant 0 : index
    %get3A_79 = vector.load %arg10[%get3A_77, %get3A_78] : memref<1x10000xi32, #tpu.memory_space<vmem>>, vector<1x10000xi32>
    %iota3A = tpu.iota {dimensions = array<i32: 0>} : vector<64x1xi32>
    %eq3A = vector.broadcast %get3A_79 : vector<1x10000xi32> to vector<64x10000xi32>
    %eq3A_80 = vector.broadcast %iota3A : vector<64x1xi32> to vector<64x10000xi32>
    %eq3A_81 = arith.cmpi eq, %eq3A, %eq3A_80 : vector<64x10000xi32>
    %reduce_max3A = arith.constant dense<0xFF800000> : vector<10000xf32>
    %reduce_max3A_82 = vector.multi_reduction <maximumf>, %max3A_76, %reduce_max3A [1] : vector<10000x4xf32> to vector<10000xf32>
    %broadcast_in_dim3A_83 = vector.shape_cast %reduce_max3A_82 : vector<10000xf32> to vector<1x10000xf32>
    %jit3A = arith.constant -3.400000e+38 : f32
    %broadcast_in_dim3A_84 = vector.shape_cast %broadcast_in_dim3A_83 : vector<1x10000xf32> to vector<1x10000xf32>
    %broadcast_in_dim3A_85 = vector.broadcast %broadcast_in_dim3A_84 : vector<1x10000xf32> to vector<64x10000xf32>
    %broadcast_in_dim3A_86 = vector.broadcast %jit3A : f32 to vector<64x10000xf32>
    %select_n3A = arith.select %eq3A_81, %broadcast_in_dim3A_85, %broadcast_in_dim3A_86 : vector<64x10000xi1>, vector<64x10000xf32>
    %reduce_max3A_87 = arith.constant dense<0xFF800000> : vector<64xf32>
    %reduce_max3A_88 = vector.multi_reduction <maximumf>, %select_n3A, %reduce_max3A_87 [1] : vector<64x10000xf32> to vector<64xf32>
    %broadcast_in_dim3A_89 = vector.shape_cast %reduce_max3A_88 : vector<64xf32> to vector<64x1xf32>
    %jit3A_90 = arith.constant -3.400000e+38 : f32
    %broadcast_in_dim3A_91 = vector.shape_cast %broadcast_in_dim3A_89 : vector<64x1xf32> to vector<64x1xf32>
    %broadcast_in_dim3A_92 = vector.broadcast %broadcast_in_dim3A_91 : vector<64x1xf32> to vector<64x10000xf32>
    %broadcast_in_dim3A_93 = vector.broadcast %jit3A_90 : f32 to vector<64x10000xf32>
    %select_n3A_94 = arith.select %eq3A_81, %broadcast_in_dim3A_92, %broadcast_in_dim3A_93 : vector<64x10000xi1>, vector<64x10000xf32>
    %reduce_max3A_95 = arith.constant dense<0xFF800000> : vector<10000xf32>
    %reduce_max3A_96 = vector.multi_reduction <maximumf>, %select_n3A_94, %reduce_max3A_95 [0] : vector<64x10000xf32> to vector<10000xf32>
    %broadcast_in_dim3A_97 = vector.shape_cast %reduce_max3A_96 : vector<10000xf32> to vector<10000x1xf32>
    %sub3A_98 = vector.broadcast %broadcast_in_dim3A_97 : vector<10000x1xf32> to vector<10000x4xf32>
    %sub3A_99 = arith.subf %max3A_76, %sub3A_98 : vector<10000x4xf32>
    %exp3A = math.exp %sub3A_99 : vector<10000x4xf32>
    %reduce_sum3A_100 = arith.constant dense<0.000000e+00> : vector<10000xf32>
    %reduce_sum3A_101 = vector.multi_reduction <add>, %exp3A, %reduce_sum3A_100 [1] : vector<10000x4xf32> to vector<10000xf32>
    %broadcast_in_dim3A_102 = vector.shape_cast %reduce_sum3A_101 : vector<10000xf32> to vector<1x10000xf32>
    %jit3A_103 = arith.constant 0.000000e+00 : f32
    %broadcast_in_dim3A_104 = vector.shape_cast %broadcast_in_dim3A_102 : vector<1x10000xf32> to vector<1x10000xf32>
    %broadcast_in_dim3A_105 = vector.broadcast %broadcast_in_dim3A_104 : vector<1x10000xf32> to vector<64x10000xf32>
    %broadcast_in_dim3A_106 = vector.broadcast %jit3A_103 : f32 to vector<64x10000xf32>
    %select_n3A_107 = arith.select %eq3A_81, %broadcast_in_dim3A_105, %broadcast_in_dim3A_106 : vector<64x10000xi1>, vector<64x10000xf32>
    %reduce_sum3A_108 = arith.constant dense<0.000000e+00> : vector<64xf32>
    %reduce_sum3A_109 = vector.multi_reduction <add>, %select_n3A_107, %reduce_sum3A_108 [1] : vector<64x10000xf32> to vector<64xf32>
    %broadcast_in_dim3A_110 = vector.shape_cast %reduce_sum3A_109 : vector<64xf32> to vector<64x1xf32>
    %jit3A_111 = arith.constant 0.000000e+00 : f32
    %broadcast_in_dim3A_112 = vector.shape_cast %broadcast_in_dim3A_110 : vector<64x1xf32> to vector<64x1xf32>
    %broadcast_in_dim3A_113 = vector.broadcast %broadcast_in_dim3A_112 : vector<64x1xf32> to vector<64x10000xf32>
    %broadcast_in_dim3A_114 = vector.broadcast %jit3A_111 : f32 to vector<64x10000xf32>
    %select_n3A_115 = arith.select %eq3A_81, %broadcast_in_dim3A_113, %broadcast_in_dim3A_114 : vector<64x10000xi1>, vector<64x10000xf32>
    %reduce_sum3A_116 = arith.constant dense<0.000000e+00> : vector<10000xf32>
    %reduce_sum3A_117 = vector.multi_reduction <add>, %select_n3A_115, %reduce_sum3A_116 [0] : vector<64x10000xf32> to vector<10000xf32>
    %broadcast_in_dim3A_118 = vector.shape_cast %reduce_sum3A_117 : vector<10000xf32> to vector<10000x1xf32>
    %div3A_119 = vector.broadcast %broadcast_in_dim3A_118 : vector<10000x1xf32> to vector<10000x4xf32>
    %div3A_120 = arith.divf %exp3A, %div3A_119 : vector<10000x4xf32>
    %swap3A = arith.constant 0 : index
    %swap3A_121 = arith.constant 0 : index
    %swap3A_122 = vector.load %arg11[%swap3A, %swap3A_121] : memref<10000x4xf32, #tpu.memory_space<vmem>>, vector<10000x4xf32>
    tpu.vector_store %arg11[%swap3A, %swap3A_121], %div3A_120 {strides = array<i32>} : memref<10000x4xf32, #tpu.memory_space<vmem>>, vector<10000x4xf32>,
    return
  }
}

</mosaic_0001>

<sc_bundles>
// kernel: kernel.10.cloned.1.call-start
scs
__scs_entry_jumppad:
0x0: {  	(pc) =	sbr.rel $0x88, $3  }
0x1: {  	(tag) =	ssettag $0x0;
	lr =	simm.s32 $0x1  }
0x2: {  	[smem:$0x3F8B] =	sst lr;
	_ =	strace $0xD0000000  }
0x3: {  	_ = 	snop  }
0x4: {  	_ = 	snop  }
0x5: {  	_ = 	snop  }
0x6: {  	_ = 	snop  }
0x7: {  	_ = 	snop  }
__scs_overlays_trampoline_lowered:
0x8: {  	[smem:$0x3F9A] =	sst s0  }
0x9: {  	[smem:$0x3F9B] =	sst s1  }
0xa: {  	[smem:$0x3F9C] =	sst s2  }
0xb: {  	[smem:$0x3F9D] =	sst s3  }
0xc: {  	[smem:$0x3F9E] =	sst s4  }
0xd: {  	[smem:$0x3F9F] =	sst s5  }
0xe: {  	[smem:$0x3FA0] =	sst s6  }
0xf: {  	[smem:$0x3FA1] =	sst s7  }
0x10: {  	[smem:$0x3FA2] =	sst s8  }
0x11: {  	[smem:$0x3FA3] =	sst s9;
	s0 =	simm.s32 @!p0 $0x0  }
0x12: {  	s1 =	sld [smem:$0x3F89];
	s0 =	simm.s32 @p0 $0x1  }
0x13: {  	[smem:$0x3FA4] =	sst s0;
	s0 =	simm.s32 @!p1 $0x0  }
0x14: {  	s2 =	sld [smem:$0x3F88];
	s0 =	simm.s32 @p1 $0x1  }
0x15: {  	[smem:$0x3FA5] =	sst s0;
	s0 =	simm.s32 @!p2 $0x0  }
0x16: {  	s3 =	sld [smem:$0x3FDB];
	s0 =	simm.s32 @p2 $0x1  }
0x17: {  	s4 =	simm.s32 $0x1BF5;
	[smem:$0x3FA7] =	sst s0  }
0x18: {  	s0 =	sld [smem:$0x3F8A];
	_ =	swait.ge [sflag:s4], $0x0  }
0x19: {  	s7 =	sld [smem:$0x3F8B]  }
0x1a: {  	s8 =	sadd.s32 $0xFFFFE003, lr  }
0x1b: {  	s9 =	sadd.s32 $0xFFFFFEF7, lr;
	s5 =	simm.s32 $0xFFFFFFFF;
	p2 =	slt.u32 s8, $0xFFFFF086  }
0x1c: {  	p1 =	slt.u32 s9, $0xF7A;
	s5 =	simm.s32 @!p2 $0x0  }
0x1d: {  	s5 =	simm.s32 @p1 $0x1;
	p0 =	seq.s32 s7, s2  }
0x1e: {  	s7 =	smul.u32 @!p0 $0xF7A, s2;
	p2 =	seq.s32 @!p0 s5, $0x0  }
0x1f: {  	s9 =	smul.u32 $0xF7A, s1;
	s8 =	simm.s32 @!p0 $0x1BF5;
	p2 =	por !p2, p0  }
0x20: {  	[sflag:s8] =	ssyncset.s32 @!p0 $0xFFFFF086;
	s6 =	sadd.s32 @!p0 s3, s7;
	s7 =	simm.s32 @!p0 $0x108  }
0x21: {  	s3 =	sadd.s32 s3, s9;
	s6 =	sadd.s32 @!p0 $0x88, s6;
	s7 =	simm.s32 @p2 $0x1082  }
0x22: {  	[simem:s7], [sflag:s8] =	dma.local @!p0 [hbm:s6], $0xF7A  }
0x23: {  	s9 =	sor.u32 $0xD0000000, s2;
	s6 =	simm.s32 $0x108;
	_ =	swait.ge @!p0 [sflag:s8], $0x0  }
0x24: {  	s3 =	sadd.s32 $0x88, s3;
	s6 =	simm.s32 @!p1 $0x1082;
	[sflag:s4] =	ssyncset.s32 $0xFFFFF086  }
0x25: {  	[simem:s6], [sflag:s4] =	dma.local [hbm:s3], $0xF7A  }
0x26: {  	[smem:$0x3F8B] =	sst s1;
	(tag) =	ssettag s2;
	_ =	strace s9  }
0x27: {  	s1 =	sld [smem:$0x3F9B]  }
0x28: {  	s2 =	sld [smem:$0x3F9C]  }
0x29: {  	s4 =	sld [smem:$0x3F9E]  }
0x2a: {  	p0 =	seq.s32 s5, $0x0;
	s5 =	sld [smem:$0x3F9F]  }
0x2b: {  	s6 =	sld [smem:$0x3FA0]  }
0x2c: {  	s7 =	sld [smem:$0x3FA1]  }
0x2d: {  	s3 =	simm.s32 $0x108;
	s8 =	sld [smem:$0x3FA2]  }
0x2e: {  	s3 =	simm.s32 @!p0 $0x1082;
	s9 =	sld [smem:$0x3FA3]  }
0x2f: {  	lr =	sadd.s32 s0, s3;
	s0 =	sld [smem:$0x3F9A]  }
0x30: {  	s3 =	sld [smem:$0x3F9D]  }
0x31: {  	[smem:$0x3FA6] =	sst s10  }
0x32: {  	s10 =	sld [smem:$0x3FA4];
	_ =	sdelay $0x3  }
0x33: {  	p0 =	seq.s32 s10, $0x1;
	s10 =	sld [smem:$0x3FA6];
	_ =	sdelay $0x3  }
0x34: {  	[smem:$0x3FA6] =	sst s10  }
0x35: {  	s10 =	sld [smem:$0x3FA5];
	_ =	sdelay $0x3  }
0x36: {  	p1 =	seq.s32 s10, $0x1;
	s10 =	sld [smem:$0x3FA6];
	_ =	sdelay $0x3  }
0x37: {  	[smem:$0x3FA6] =	sst s10  }
0x38: {  	s10 =	sld [smem:$0x3FA7]  }
0x39: {  	_ = 	snop;
	(pc) =	sbr.ind lr, $3  }
0x3a: {  	_ = 	snop  }
0x3b: {  	_ = 	snop  }
0x3c: {  	p2 =	seq.s32 s10, $0x1;
	s10 =	sld [smem:$0x3FA6]  }
0x3d: {  	_ =	shalt  }
0x3e: {  	_ =	shalt  }
0x3f: {  	_ =	shalt  }
0x40: {  	_ =	shalt  }
0x41: {  	_ =	shalt  }
0x42: {  	_ =	shalt  }
0x43: {  	_ =	shalt  }
0x44: {  	_ =	shalt  }
0x45: {  	_ =	shalt  }
0x46: {  	_ =	shalt  }
0x47: {  	_ =	shalt  }
0x48: {  	_ =	shalt  }
0x49: {  	_ =	shalt  }
0x4a: {  	_ =	shalt  }
0x4b: {  	_ =	shalt  }
0x4c: {  	_ =	shalt  }
0x4d: {  	_ =	shalt  }
0x4e: {  	_ =	shalt  }
0x4f: {  	_ =	shalt  }
0x50: {  	_ =	shalt  }
0x51: {  	_ =	shalt  }
0x52: {  	_ =	shalt  }
0x53: {  	_ =	shalt  }
0x54: {  	_ =	shalt  }
0x55: {  	_ =	shalt  }
0x56: {  	_ =	shalt  }
0x57: {  	_ =	shalt  }
0x58: {  	_ =	shalt  }
0x59: {  	_ =	shalt  }
0x5a: {  	_ =	shalt  }
0x5b: {  	_ =	shalt  }
0x5c: {  	_ =	shalt  }
0x5d: {  	_ =	shalt  }
0x5e: {  	_ =	shalt  }
0x5f: {  	_ =	shalt  }
0x60: {  	_ =	shalt  }
0x61: {  	_ =	shalt  }
0x62: {  	_ =	shalt  }
0x63: {  	_ =	shalt  }
0x64: {  	_ =	shalt  }
0x65: {  	_ =	shalt  }
0x66: {  	_ =	shalt  }
0x67: {  	_ =	shalt  }
0x68: {  	_ =	shalt  }
0x69: {  	_ =	shalt  }
0x6a: {  	_ =	shalt  }
0x6b: {  	_ =	shalt  }
0x6c: {  	_ =	shalt  }
0x6d: {  	_ =	shalt  }
0x6e: {  	_ =	shalt  }
0x6f: {  	_ =	shalt  }
0x70: {  	_ =	shalt  }
0x71: {  	_ =	shalt  }
0x72: {  	_ =	shalt  }
0x73: {  	_ =	shalt  }
0x74: {  	_ =	shalt  }
0x75: {  	_ =	shalt  }
0x76: {  	_ =	shalt  }
0x77: {  	_ =	shalt  }
0x78: {  	_ =	shalt  }
0x79: {  	_ =	shalt  }
0x7a: {  	_ =	shalt  }
0x7b: {  	_ =	shalt  }
0x7c: {  	_ =	shalt  }
0x7d: {  	_ =	shalt  }
0x7e: {  	_ =	shalt  }
0x7f: {  	_ =	shalt  }
0x80: {  	_ =	shalt  }
0x81: {  	_ =	shalt  }
0x82: {  	_ =	shalt  }
0x83: {  	_ =	shalt  }
0x84: {  	_ =	shalt  }
0x85: {  	_ =	shalt  }
0x86: {  	_ =	shalt  }
0x87: {  	_ =	shalt  }
.Lfunc_end0:
.L_simem_size_0:
called_computation.1_lowered:
.L_overlay_start_0:
0x88: {  	s2 =	sld [smem:$0x3FD9]  }
0x89: {  	s3 =	sld [smem:$0x3FFE];
	_ =	sdelay $0x1  }
0x8a: {  	s1 =	srdreg.scid  }
0x8b: {  	s0 =	sand.u32 $0x1, s1  }
0x8c: {  	s16 =	sshll.u32 s0, $0xA;
	s2 =	sadd.s32 s3, s2  }
0x8d: {  	s2 =	sadd.s32 s2, s16  }
0x8e: {  	[smem:$0x3FB2] =	sst s2  }
0x8f: {  	_ = 	snop  }
0x90: {  	(tm) =	ssettm $0x1  }
0x91: {  	s17 =	sld [smem:$0x3FFB];
	_ =	sdelay $0x3  }
0x92: {  	_ =	strace s17  }
0x93: {  	s2 =	sld [smem:$0x3FFC];
	_ =	sdelay $0x3  }
0x94: {  	_ =	strace s2  }
0x95: {  	s2 =	sld [smem:$0x3FFD];
	_ =	sdelay $0x3  }
0x96: {  	_ =	strace s2  }
0x97: {  	_ =	strace $0x8FFFFFFF  }
0x98: {  	s18 =	sld [smem:$0x3FDB];
	_ =	sdelay $0x1  }
0x99: {  	s19 =	simm.s32 $_scs_section_size  }
0x9a: {  	s4 =	simm.s32 $_size__tile_overlayer_lowered;
	s5 =	simm.s32 $_tile_overlayer_lowered  }
0x9b: {  	s22 =	simm.s32 $0x1BFF;
	s21 =	sshll.u32 s5, $0x1;
	s2 =	sadd.s32 s19, s18  }
0x9c: {  	s6 =	simm.s32 $0x0;
	s20 =	sshll.u32 s4, $0x1;
	s4 =	sadd.s32 s21, s2  }
0x9d: {  	[timem:s6], [sflag:s22] =	dma.local [hbm:s4], s20  }
0x9e: {  	_ =	swait.ge [sflag:s22], s20  }
0x9f: {  	s3 =	ssub.s32 $0x0, s20;
	[sflag:s22] =	ssyncset.done $0x0  }
0xa0: {  	[sflag:s22] =	ssyncadd.s32 s3;
	_ =	sdelay $0x1  }
0xa1: {  	s23 =	simm.s32 $0x1B8B  }
0xa2: {  	_ =	swait.ge [sflag:s23], $0x1  }
0xa3: {  	[sflag:s23] =	ssyncset.done $0x0  }
0xa4: {  	s25 =	simm.s32 $0x1B8E;
	s24 =	sld [smem:$0x3FFE];
	[sflag:s23] =	ssyncadd.s32 $0xFFFFFFFF  }
0xa5: {  	s26 =	simm.s32 $execute0_lowered;
	[smem:$0x3FD2] =	sst s25  }
0xa6: {  	s4 =	sshll.u32 s26, $0x1;
	_ =	strace $0x80000049;
	[dreg:$0x1] =	wrdreg $0xFFFFFFFF  }
0xa7: {  	s28 =	simm.s32 $_size_execute0_lowered;
	s2 =	sadd.s32 s2, s4;
	[dreg:$0x0] =	wrdreg $0x0  }
0xa8: {  	s4 =	sshll.u32 s28, $0x1;
	[dreg:$0x2] =	wrdreg s2  }
0xa9: {  	[dreg:$0x3] =	wrdreg s4  }
0xaa: {  	[dreg:$0x4] =	wrdreg $0xC0  }
0xab: {  	_ =	task [dreg:s6], $0x5FFFF  }
0xac: {  	[dreg:$0x1] =	wrdreg $0xFFFFFFFF  }
0xad: {  	[dreg:$0x0] =	wrdreg $0x60  }
0xae: {  	[dreg:$0x2] =	wrdreg s24  }
0xaf: {  	[dreg:$0x3] =	wrdreg $0x79000  }
0xb0: {  	[dreg:$0x4] =	wrdreg $0x9  }
0xb1: {  	_ =	task.clear_ibuf [dreg:s6], $0x5FFFF;
	_ =	strace $0x90000049  }
0xb2: {  	s29 =	simm.s32 $0x9;
	_ =	strace $0x8000004B  }
0xb3: {  	_ =	swait.ge [sflag:s29], $0x1  }
0xb4: {  	[sflag:s29] =	ssyncadd.s32 $0xFFFFFFFF  }
0xb5: {  	_ =	strace $0x9000004B  }
0xb6: {  	_ =	sfence  }
0xb7: {  	s30 =	sld [smem:$0x0];
	_ =	sdelay $0x2  }
0xb8: {  	s31 =	sshll.u32 s1, $0xD;
	s1 =	sshrl.u32 s1, $0x2  }
0xb9: {  	s3 =	sand.u32 $0x4000, s31;
	s1 =	sadd.s32 s1, s30  }
0xba: {  	s0 =	sor.u32 s3, s0;
	s1 =	sshll.u32 s1, $0x11  }
0xbb: {  	s0 =	sor.u32 s1, s0  }
0xbc: {  	s0 =	sadd.s32 $0x8F2B, s0  }
0xbd: {  	[sflag:s0] =	ssyncadd.remote.s32 $0x1  }
0xbe: {  	_ =	sfence.sel $0xFFFF  }
0xbf: {  	[dreg:$0x0] =	wrdreg $0xFFFFFFFF;
	(pc) =	sbr.abs _section_cstart, $3  }
0xc0: {  	[dreg:$0x1] =	wrdreg $0xFFFFFFFF  }
0xc1: {  	_ =	task.clear_ibuf [dreg:s6], $0x2FFFF;
	_ =	strace $0x9FFFFFFF  }
0xc2: {  	(tm) =	ssettm $0x7FFFFFFF  }
0xc3: {  	_ =	shalt  }
tec
execute0_lowered:
.L_overlay_start_1:
0x0: {  	(tag) =	ssettag $0x1  }
0x1: {  	s5 =	rddreg [dreg:$0x0]  }
0x2: {  	s1 =	rddreg [dreg:$0x1]  }
0x3: {  	s0 =	rddreg [dreg:$0x2];
	s2 =	simm.s32 $0x0;
	s3 =	srdreg.scid  }
0x4: {  	s14 =	simm.s32 $0x5100;
	s15 =	simm.s32 $0x2;
	s16 =	simm.s32 $0x80  }
0x5: {  	s17 =	simm.s32 $0x2900;
	s18 =	simm.s32 $0x50;
	s19 =	simm.s32 $0x100  }
0x6: {  	s20 =	simm.s32 $0x1;
	s21 =	simm.s32 $0x0;
	[smem:$0x7FF] =	sst s2  }
0x7: {  	s8 =	sand.u32 $0x1, s3;
	s3 =	sadd.s32 $0x16E00, s5;
	s4 =	sadd.s32 $0xD000, s5  }
0x8: {  	s6 =	sadd.s32 $0x3200, s5;
	s7 =	sadd.s32 $0x9DAE00, s5;
	s9 =	smul.u32 $0x27100, s8  }
0x9: {  	_ =	strace $0x8000004A;
	s10 =	ssub.s32 $0x2, s8;
	s30 =	sshll.u32 s8, $0x4  }
0xa: {  	s29 =	sshrl.u32 s10, $0x1;
	s11 =	sadd.s32 s9, s5;
	s5 =	stileid.u32  }
0xb: {  	s8 =	simm.s32 $0x5;
	s12 =	ssub.s32 s10, s29;
	s31 =	smul.u32 $0x50000, s5  }
0xc: {  	p0 =	seq.s32 s5, $0xF;
	s9 =	sor.u32 s5, s30;
	s10 =	sadd.s32 $0x3E000, s11  }
0xd: {  	s11 =	smax.u32 s12, $0x1;
	s9 =	smul.u32 $0x2710, s9;
	s13 =	sshrl.u32 s31, $0x2  }
0xe: {  	v0 =	vimm.f32 $0.0e+00;
	s8 =	simm.s32 @!p0 $0x8;
	s12 =	sadd.s32 s13, s1;
	s13 =	smul.u32 $0x2800, s5  }
.LBB2_1:
0xf: {  	s22 =	sand.u32 $0xFE00, s2  }
0x10: {  	s23 =	sand.u32 $0x70, s2;
	s24 =	sshrl.u32 s22, $0x2  }
0x11: {  	s22 =	simm.s32 $0x40;
	s24 =	sor.u32 s23, s24;
	s23 =	simm.s32 $0x0  }
.LBB2_2:
0x12: {  	p0 =	sne.s32 s22, $0x9FC0  }
0x13: {  	[tilespmem:s24+$0x5100] =	vst v0;
	s23 =	sadd.s32 $0x10, s23;
	s24 =	smov.u32 s22;
	s22 =	sadd.s32 $0x40, s22  }
.Ltmp0:
0x14: {  	(pc) =	sbr.rel @p0 .LBB2_2-.Ltmp0, $4  }
0x15: {  	_ = 	snop  }
0x16: {  	s24 =	sand.u32 $0xFE00, s24  }
0x17: {  	s25 =	sand.u32 $0x70, s23;
	s24 =	sshrl.u32 s24, $0x2  }
0x18: {  	s24 =	sor.u32 s25, s24  }
0x19: {  	p0 =	sne.s32 s8, $0x1  }
.Ltmp1:
0x1a: {  	_ = 	snop;
	(pc) =	sbr.rel @!p0 .LBB2_5-.Ltmp1, $4  }
0x1b: {  	[tilespmem:s24+$0x5100] =	vst v0  }
0x1c: {  	[spmem:s12] =	stream.linear.scatter [tilespmem:s14], [sflag:$0x2], $0x2800, $0x38;
	[tilespmem:$0x1B180] =	vst v63  }
0x1d: {  	_ =	swait.ge [sflag:s15], $0x2800  }
0x1e: {  	s22 =	sadd.s32 $0xFFFFFFFF, s8;
	s23 =	smov.u32 s12;
	[sflag:s15] =	ssyncset.done $0x0  }
.LBB2_4:
0x1f: {  	p1 =	sne.s32 s22, $0x1;
	[sflag:s15] =	ssyncadd.s32 $0xFFFFD800;
	s23 =	sadd.s32 $0x2800, s23  }
.Ltmp2:
0x20: {  	s22 =	sadd.s32 $0xFFFFFFFF, s22;
	(pc) =	sbr.rel @p1 .LBB2_4-.Ltmp2, $4  }
0x21: {  	_ = 	snop  }
0x22: {  	[spmem:s23] =	stream.linear.scatter [tilespmem:s14], [sflag:$0x2], $0x2800, $0x38;
	[tilespmem:$0x1B180] =	vst v63  }
0x23: {  	_ =	swait.ge [sflag:s15], $0x2800  }
0x24: {  	[sflag:s15] =	ssyncset.done $0x0  }
.LBB2_5:
0x25: {  	[sflag:s15] =	ssyncadd.s32 $0xFFFFD800  }
0x26: {  	s22 =	simm.s32 $0x0;
	s23 =	simm.s32 $0x0;
	[bflag:$0x0] =	sbarrier.arrive $0xFFFF  }
.LBB2_6:
0x27: {  	s24 =	smul.u32 $0x50, s23;
	_ =	sdelay $0x1  }
0x28: {  	s24 =	sadd.s32 s9, s24  }
0x29: {  	s25 =	sshrl.u32 s24, $0x3  }
0x2a: {  	s26 =	sadd.s32 s4, s25  }
0x2b: {  	[tilespmem:s22], [sflag:$0x2] =	stream.linear.gather [hbm4b:s26+s22], $0x50, $0x38;
	[tilespmem:$0x1B180] =	vst v63  }
0x2c: {  	_ =	swait.ge [sflag:s15], $0x50  }
0x2d: {  	[sflag:s15] =	ssyncset.done $0x0  }
0x2e: {  	s25 =	sadd.s32 s6, s25;
	[sflag:s15] =	ssyncadd.s32 $0xFFFFFFB0  }
0x2f: {  	[tilespmem:s16], [sflag:$0x2] =	stream.linear.gather [hbm4b:s25+s22], $0x50, $0x38;
	[tilespmem:$0x1B180] =	vst v63  }
0x30: {  	_ =	swait.ge [sflag:s15], $0x50  }
0x31: {  	s24 =	sshll.u32 s24, $0x4;
	[sflag:s15] =	ssyncset.done $0x0  }
0x32: {  	s24 =	sadd.s32 s7, s24;
	[sflag:s15] =	ssyncadd.s32 $0xFFFFFFB0  }
0x33: {  	[tilespmem:s17], [sflag:$0x2] =	stream.linear.gather [hbm4b:s24+s22], $0x2800, $0x38;
	[tilespmem:$0x1B180] =	vst v63  }
0x34: {  	_ =	swait.ge [sflag:s15], $0x2800  }
0x35: {  	[sflag:s15] =	ssyncset.done $0x0  }
0x36: {  	[sflag:s15] =	ssyncadd.s32 $0xFFFFD800  }
0x37: {  	[tilespmem:s19], [sflag:$0x1] =	stream.indirect.gather [hbm4b:s3+s18], $0x80, s22, s18, $0xb8;
	[tilespmem:$0x1B180] =	vst v63  }
0x38: {  	_ =	swait.ge [sflag:s20], $0x2800  }
0x39: {  	[sflag:s20] =	ssyncset.done $0x0  }
0x3a: {  	s24 =	simm.s32 $0x0;
	[sflag:s20] =	ssyncadd.s32 $0xFFFFD800  }
0x3b: {  	v7 =	vld [tilespmem:s24+$0x100]  }
0x3c: {  	v12 =	vld [tilespmem:s24+$0x110]  }
0x3d: {  	v6 =	vld [tilespmem:s24+$0x120]  }
0x3e: {  	v5 =	vld [tilespmem:s24+$0x130]  }
0x3f: {  	v4 =	vld [tilespmem:s24+$0x140]  }
0x40: {  	v3 =	vld [tilespmem:s24+$0x150]  }
0x41: {  	v2 =	vld [tilespmem:s24+$0x160]  }
0x42: {  	v1 =	vld [tilespmem:s24+$0x170]  }
0x43: {  	v13 =	vld [tilespmem:s24+$0x2900]  }
0x44: {  	v14 =	vld [tilespmem:s24+$0x2910]  }
0x45: {  	v11 =	vld [tilespmem:s24+$0x2920]  }
0x46: {  	v10 =	vld [tilespmem:s24+$0x2930]  }
0x47: {  	v9 =	vld [tilespmem:s24+$0x2940]  }
0x48: {  	v8 =	vld [tilespmem:s24+$0x2950];
	v13 =	vadd.f32 v7, v13  }
0x49: {  	s25 =	simm.s32 $0x200;
	v12 =	vadd.f32 v12, v14;
	v7 =	vld [tilespmem:s24+$0x2960]  }
.LBB2_7:
0x4a: {  	s26 =	sshra.s32 s25, $0x2;
	p1 =	sne.s32 s25, $0x9E00;
	v13 =	vmax.f32 v13, $0.0e+00;
	v6 =	vadd.f32 v6, v11;
	v11 =	vld [tilespmem:s24+$0x2970]  }
0x4b: {  	v14 =	vld [tilespmem:s26+$0x100];
	[tilespmem:s24+$0x2900] =	vst v13;
	v12 =	vmax.f32 v12, $0.0e+00;
	v5 =	vadd.f32 v5, v10  }
0x4c: {  	v15 =	vld [tilespmem:s26+$0x110];
	[tilespmem:s24+$0x2910] =	vst v12;
	v10 =	vmax.f32 v6, $0.0e+00;
	v4 =	vadd.f32 v4, v9  }
0x4d: {  	v6 =	vld [tilespmem:s26+$0x120];
	[tilespmem:s24+$0x2920] =	vst v10;
	v9 =	vmax.f32 v5, $0.0e+00;
	v3 =	vadd.f32 v3, v8  }
0x4e: {  	v5 =	vld [tilespmem:s26+$0x130];
	[tilespmem:s24+$0x2930] =	vst v9;
	v8 =	vmax.f32 v4, $0.0e+00;
	v2 =	vadd.f32 v2, v7  }
0x4f: {  	v4 =	vld [tilespmem:s26+$0x140];
	[tilespmem:s24+$0x2940] =	vst v8;
	v7 =	vmax.f32 v3, $0.0e+00;
	v1 =	vadd.f32 v1, v11  }
0x50: {  	v3 =	vld [tilespmem:s26+$0x150];
	[tilespmem:s24+$0x2950] =	vst v7;
	v7 =	vmax.f32 v2, $0.0e+00  }
0x51: {  	v2 =	vld [tilespmem:s26+$0x160];
	[tilespmem:s24+$0x2960] =	vst v7;
	v7 =	vmax.f32 v1, $0.0e+00  }
0x52: {  	v1 =	vld [tilespmem:s26+$0x170];
	[tilespmem:s24+$0x2970] =	vst v7;
	s24 =	smov.u32 s26  }
0x53: {  	v7 =	vld [tilespmem:s24+$0x2900]  }
0x54: {  	v12 =	vld [tilespmem:s24+$0x2910]  }
.Ltmp3:
0x55: {  	v11 =	vld [tilespmem:s24+$0x2920];
	(pc) =	sbr.rel @p1 .LBB2_7-.Ltmp3, $4  }
0x56: {  	v10 =	vld [tilespmem:s24+$0x2930]  }
0x57: {  	v9 =	vld [tilespmem:s24+$0x2940]  }
0x58: {  	v13 =	vadd.f32 v14, v7;
	v8 =	vld [tilespmem:s24+$0x2950]  }
0x59: {  	s25 =	sadd.s32 $0x200, s25;
	v12 =	vadd.f32 v15, v12;
	v7 =	vld [tilespmem:s24+$0x2960]  }
0x5a: {  	v13 =	vmax.f32 v13, $0.0e+00;
	v6 =	vadd.f32 v6, v11;
	v63 =	vld [tilespmem:s24+$0x2970]  }
0x5b: {  	[tilespmem:s24+$0x2900] =	vst v13;
	v12 =	vmax.f32 v12, $0.0e+00;
	v5 =	vadd.f32 v5, v10  }
0x5c: {  	[tilespmem:s24+$0x2910] =	vst v12;
	v6 =	vmax.f32 v6, $0.0e+00;
	v4 =	vadd.f32 v4, v9  }
0x5d: {  	[tilespmem:s24+$0x2920] =	vst v6;
	v5 =	vmax.f32 v5, $0.0e+00;
	v3 =	vadd.f32 v3, v8  }
0x5e: {  	[tilespmem:s24+$0x2930] =	vst v5;
	v4 =	vmax.f32 v4, $0.0e+00;
	v2 =	vadd.f32 v2, v7  }
0x5f: {  	[tilespmem:s24+$0x2940] =	vst v4;
	v3 =	vmax.f32 v3, $0.0e+00;
	v1 =	vadd.f32 v1, v63  }
0x60: {  	s23 =	sadd.s32 $0x1, s23;
	[tilespmem:s24+$0x2950] =	vst v3;
	v2 =	vmax.f32 v2, $0.0e+00  }
0x61: {  	p1 =	sne.s32 s23, $0x7D;
	[tilespmem:s24+$0x2960] =	vst v2;
	v1 =	vmax.f32 v1, $0.0e+00  }
.Ltmp4:
0x62: {  	[tilespmem:s24+$0x2970] =	vst v1;
	(pc) =	sbr.rel @p1 .LBB2_6-.Ltmp4, $4  }
0x63: {  	[spmem:s1] =	stream.indirect.scatter.add.f32 [tilespmem:s17], [sflag:$0x2], $0x80, s16, s18, $0xb8;
	[tilespmem:$0x1B180] =	vst v63  }
0x64: {  	_ =	swait.ge [sflag:s15], $0x2800  }
0x65: {  	[sflag:s15] =	ssyncset.done $0x0  }
0x66: {  	[sflag:s15] =	ssyncadd.s32 $0xFFFFD800  }
0x67: {  	[bflag:$0x0] =	sbarrier.arrive $0xFFFF  }
0x68: {  	[tilespmem:s14], [sflag:$0x2] =	stream.linear.gather [spmem:s12], $0x2800, $0x38;
	[tilespmem:$0x1B180] =	vst v63  }
0x69: {  	_ =	swait.ge [sflag:s15], $0x2800  }
.Ltmp5:
0x6a: {  	[sflag:s15] =	ssyncset.done $0x0;
	(pc) =	sbr.rel @!p0 .LBB2_11-.Ltmp5, $4  }
0x6b: {  	s22 =	sadd.s32 s13, s10;
	[sflag:s15] =	ssyncadd.s32 $0xFFFFD800  }
0x6c: {  	[hbm4b:s22+s2] =	stream.linear.scatter [tilespmem:s14], [sflag:$0x2], $0x2800, $0x38;
	[tilespmem:$0x1B180] =	vst v63  }
0x6d: {  	s23 =	smov.u32 s13;
	_ =	swait.ge [sflag:s15], $0x2800  }
0x6e: {  	s24 =	smov.u32 s12;
	s22 =	sadd.s32 $0xFFFFFFFF, s8;
	[sflag:s15] =	ssyncset.done $0x0  }
.LBB2_10:
0x6f: {  	[sflag:s15] =	ssyncadd.s32 $0xFFFFD800;
	s23 =	sadd.s32 $0x500, s23;
	s24 =	sadd.s32 $0x2800, s24  }
0x70: {  	[tilespmem:s14], [sflag:$0x2] =	stream.linear.gather [spmem:s24], $0x2800, $0x38;
	[tilespmem:$0x1B180] =	vst v63  }
0x71: {  	p0 =	sne.s32 s22, $0x1;
	s22 =	sadd.s32 $0xFFFFFFFF, s22;
	_ =	swait.ge [sflag:s15], $0x2800  }
.Ltmp6:
0x72: {  	[sflag:s15] =	ssyncset.done $0x0;
	(pc) =	sbr.rel @p0 .LBB2_10-.Ltmp6, $4  }
0x73: {  	s25 =	sadd.s32 s23, s10;
	[sflag:s15] =	ssyncadd.s32 $0xFFFFD800  }
0x74: {  	[hbm4b:s25+s2] =	stream.linear.scatter [tilespmem:s14], [sflag:$0x2], $0x2800, $0x38;
	[tilespmem:$0x1B180] =	vst v63  }
0x75: {  	_ =	swait.ge [sflag:s15], $0x2800  }
0x76: {  	[sflag:s15] =	ssyncset.done $0x0  }
.LBB2_11:
0x77: {  	s21 =	sadd.s32 $0x1, s21  }
0x78: {  	p0 =	sne.s32 s21, s11  }
.Ltmp7:
0x79: {  	_ = 	snop;
	(pc) =	sbr.rel @p0 .LBB2_1-.Ltmp7, $2  }
0x7a: {  	_ =	sdelay $0x2  }
0x7b: {  	[sflag:s15] =	ssyncadd.s32 $0xFFFFD800  }
0x7c: {  	_ =	sfence.sel $0x180000  }
0x7d: {  	[bflag:$0x0] =	sbarrier.arrive $0xFFFF  }
0x7e: {  	p0 =	sne.s32 s5, $0x0;
	_ =	strace $0x9000004A  }
0x7f: {  	s0 =	sadd.s32 @!p0 $0x100000, s0;
	[bflag:$0x2] =	sbarrier.arrive $0xFFFF  }
0x80: {  	[sflag:s0] =	ssyncadd.tile.s32 @!p0 $0x1;
	_ =	shalt  }
.Lfunc_end2:
_tile_overlayer_lowered:
.L_overlay_start_2:
0x81: {  	(tag) =	ssettag $0x2  }
0x82: {  	s0 =	rddreg [dreg:$0x0];
	s2 =	stileid.u32  }
0x83: {  	s1 =	rddreg [dreg:$0x1];
	p0 =	sne.s32 s2, $0x0  }
0x84: {  	s3 =	rddreg [dreg:$0x2];
	[bflag:$0x3] =	sbarrier.arrive $0xFFFF;
	s2 =	simm.s32 @!p0 $0x1C02  }
0x85: {  	[timem:s3], [sflag:s2] =	dma.local @!p0 [hbm:s0], s1  }
0x86: {  	s0 =	simm.s32 @!p0 $0x2  }
0x87: {  	_ =	swait.ge @!p0 [sflag:s0], s1  }
0x88: {  	s1 =	ssub.s32 @!p0 $0x0, s1;
	[sflag:s0] =	ssyncset.done @!p0 $0x0  }
0x89: {  	[sflag:s0] =	ssyncadd.s32 @!p0 s1  }
0x8a: {  	[bflag:$0x3] =	sbarrier.arrive $0xFFFF  }
0x8b: {  	_ =	shalt  }

// kernel: kernel.7.cloned.1.call-start
scs
__scs_entry_jumppad:
0x0: {  	(pc) =	sbr.rel $0x88, $3  }
0x1: {  	(tag) =	ssettag $0x0;
	lr =	simm.s32 $0x1  }
0x2: {  	[smem:$0x3F8B] =	sst lr;
	_ =	strace $0xD0000000  }
0x3: {  	_ = 	snop  }
0x4: {  	_ = 	snop  }
0x5: {  	_ = 	snop  }
0x6: {  	_ = 	snop  }
0x7: {  	_ = 	snop  }
__scs_overlays_trampoline_lowered:
0x8: {  	[smem:$0x3F9A] =	sst s0  }
0x9: {  	[smem:$0x3F9B] =	sst s1  }
0xa: {  	[smem:$0x3F9C] =	sst s2  }
0xb: {  	[smem:$0x3F9D] =	sst s3  }
0xc: {  	[smem:$0x3F9E] =	sst s4  }
0xd: {  	[smem:$0x3F9F] =	sst s5  }
0xe: {  	[smem:$0x3FA0] =	sst s6  }
0xf: {  	[smem:$0x3FA1] =	sst s7  }
0x10: {  	[smem:$0x3FA2] =	sst s8  }
0x11: {  	[smem:$0x3FA3] =	sst s9;
	s0 =	simm.s32 @!p0 $0x0  }
0x12: {  	s1 =	sld [smem:$0x3F89];
	s0 =	simm.s32 @p0 $0x1  }
0x13: {  	[smem:$0x3FA4] =	sst s0;
	s0 =	simm.s32 @!p1 $0x0  }
0x14: {  	s2 =	sld [smem:$0x3F88];
	s0 =	simm.s32 @p1 $0x1  }
0x15: {  	[smem:$0x3FA5] =	sst s0;
	s0 =	simm.s32 @!p2 $0x0  }
0x16: {  	s3 =	sld [smem:$0x3FDB];
	s0 =	simm.s32 @p2 $0x1  }
0x17: {  	s4 =	simm.s32 $0x1BF5;
	[smem:$0x3FA7] =	sst s0  }
0x18: {  	s0 =	sld [smem:$0x3F8A];
	_ =	swait.ge [sflag:s4], $0x0  }
0x19: {  	s7 =	sld [smem:$0x3F8B]  }
0x1a: {  	s8 =	sadd.s32 $0xFFFFE003, lr  }
0x1b: {  	s9 =	sadd.s32 $0xFFFFFEF7, lr;
	s5 =	simm.s32 $0xFFFFFFFF;
	p2 =	slt.u32 s8, $0xFFFFF086  }
0x1c: {  	p1 =	slt.u32 s9, $0xF7A;
	s5 =	simm.s32 @!p2 $0x0  }
0x1d: {  	s5 =	simm.s32 @p1 $0x1;
	p0 =	seq.s32 s7, s2  }
0x1e: {  	s7 =	smul.u32 @!p0 $0xF7A, s2;
	p2 =	seq.s32 @!p0 s5, $0x0  }
0x1f: {  	s9 =	smul.u32 $0xF7A, s1;
	s8 =	simm.s32 @!p0 $0x1BF5;
	p2 =	por !p2, p0  }
0x20: {  	[sflag:s8] =	ssyncset.s32 @!p0 $0xFFFFF086;
	s6 =	sadd.s32 @!p0 s3, s7;
	s7 =	simm.s32 @!p0 $0x108  }
0x21: {  	s3 =	sadd.s32 s3, s9;
	s6 =	sadd.s32 @!p0 $0x88, s6;
	s7 =	simm.s32 @p2 $0x1082  }
0x22: {  	[simem:s7], [sflag:s8] =	dma.local @!p0 [hbm:s6], $0xF7A  }
0x23: {  	s9 =	sor.u32 $0xD0000000, s2;
	s6 =	simm.s32 $0x108;
	_ =	swait.ge @!p0 [sflag:s8], $0x0  }
0x24: {  	s3 =	sadd.s32 $0x88, s3;
	s6 =	simm.s32 @!p1 $0x1082;
	[sflag:s4] =	ssyncset.s32 $0xFFFFF086  }
0x25: {  	[simem:s6], [sflag:s4] =	dma.local [hbm:s3], $0xF7A  }
0x26: {  	[smem:$0x3F8B] =	sst s1;
	(tag) =	ssettag s2;
	_ =	strace s9  }
0x27: {  	s1 =	sld [smem:$0x3F9B]  }
0x28: {  	s2 =	sld [smem:$0x3F9C]  }
0x29: {  	s4 =	sld [smem:$0x3F9E]  }
0x2a: {  	p0 =	seq.s32 s5, $0x0;
	s5 =	sld [smem:$0x3F9F]  }
0x2b: {  	s6 =	sld [smem:$0x3FA0]  }
0x2c: {  	s7 =	sld [smem:$0x3FA1]  }
0x2d: {  	s3 =	simm.s32 $0x108;
	s8 =	sld [smem:$0x3FA2]  }
0x2e: {  	s3 =	simm.s32 @!p0 $0x1082;
	s9 =	sld [smem:$0x3FA3]  }
0x2f: {  	lr =	sadd.s32 s0, s3;
	s0 =	sld [smem:$0x3F9A]  }
0x30: {  	s3 =	sld [smem:$0x3F9D]  }
0x31: {  	[smem:$0x3FA6] =	sst s10  }
0x32: {  	s10 =	sld [smem:$0x3FA4];
	_ =	sdelay $0x3  }
0x33: {  	p0 =	seq.s32 s10, $0x1;
	s10 =	sld [smem:$0x3FA6];
	_ =	sdelay $0x3  }
0x34: {  	[smem:$0x3FA6] =	sst s10  }
0x35: {  	s10 =	sld [smem:$0x3FA5];
	_ =	sdelay $0x3  }
0x36: {  	p1 =	seq.s32 s10, $0x1;
	s10 =	sld [smem:$0x3FA6];
	_ =	sdelay $0x3  }
0x37: {  	[smem:$0x3FA6] =	sst s10  }
0x38: {  	s10 =	sld [smem:$0x3FA7]  }
0x39: {  	_ = 	snop;
	(pc) =	sbr.ind lr, $3  }
0x3a: {  	_ = 	snop  }
0x3b: {  	_ = 	snop  }
0x3c: {  	p2 =	seq.s32 s10, $0x1;
	s10 =	sld [smem:$0x3FA6]  }
0x3d: {  	_ =	shalt  }
0x3e: {  	_ =	shalt  }
0x3f: {  	_ =	shalt  }
0x40: {  	_ =	shalt  }
0x41: {  	_ =	shalt  }
0x42: {  	_ =	shalt  }
0x43: {  	_ =	shalt  }
0x44: {  	_ =	shalt  }
0x45: {  	_ =	shalt  }
0x46: {  	_ =	shalt  }
0x47: {  	_ =	shalt  }
0x48: {  	_ =	shalt  }
0x49: {  	_ =	shalt  }
0x4a: {  	_ =	shalt  }
0x4b: {  	_ =	shalt  }
0x4c: {  	_ =	shalt  }
0x4d: {  	_ =	shalt  }
0x4e: {  	_ =	shalt  }
0x4f: {  	_ =	shalt  }
0x50: {  	_ =	shalt  }
0x51: {  	_ =	shalt  }
0x52: {  	_ =	shalt  }
0x53: {  	_ =	shalt  }
0x54: {  	_ =	shalt  }
0x55: {  	_ =	shalt  }
0x56: {  	_ =	shalt  }
0x57: {  	_ =	shalt  }
0x58: {  	_ =	shalt  }
0x59: {  	_ =	shalt  }
0x5a: {  	_ =	shalt  }
0x5b: {  	_ =	shalt  }
0x5c: {  	_ =	shalt  }
0x5d: {  	_ =	shalt  }
0x5e: {  	_ =	shalt  }
0x5f: {  	_ =	shalt  }
0x60: {  	_ =	shalt  }
0x61: {  	_ =	shalt  }
0x62: {  	_ =	shalt  }
0x63: {  	_ =	shalt  }
0x64: {  	_ =	shalt  }
0x65: {  	_ =	shalt  }
0x66: {  	_ =	shalt  }
0x67: {  	_ =	shalt  }
0x68: {  	_ =	shalt  }
0x69: {  	_ =	shalt  }
0x6a: {  	_ =	shalt  }
0x6b: {  	_ =	shalt  }
0x6c: {  	_ =	shalt  }
0x6d: {  	_ =	shalt  }
0x6e: {  	_ =	shalt  }
0x6f: {  	_ =	shalt  }
0x70: {  	_ =	shalt  }
0x71: {  	_ =	shalt  }
0x72: {  	_ =	shalt  }
0x73: {  	_ =	shalt  }
0x74: {  	_ =	shalt  }
0x75: {  	_ =	shalt  }
0x76: {  	_ =	shalt  }
0x77: {  	_ =	shalt  }
0x78: {  	_ =	shalt  }
0x79: {  	_ =	shalt  }
0x7a: {  	_ =	shalt  }
0x7b: {  	_ =	shalt  }
0x7c: {  	_ =	shalt  }
0x7d: {  	_ =	shalt  }
0x7e: {  	_ =	shalt  }
0x7f: {  	_ =	shalt  }
0x80: {  	_ =	shalt  }
0x81: {  	_ =	shalt  }
0x82: {  	_ =	shalt  }
0x83: {  	_ =	shalt  }
0x84: {  	_ =	shalt  }
0x85: {  	_ =	shalt  }
0x86: {  	_ =	shalt  }
0x87: {  	_ =	shalt  }
.Lfunc_end0:
.L_simem_size_0:
called_computation_lowered:
.L_overlay_start_0:
0x88: {  	s2 =	sld [smem:$0x3FD9]  }
0x89: {  	s3 =	sld [smem:$0x3FFE];
	_ =	sdelay $0x1  }
0x8a: {  	s1 =	srdreg.scid  }
0x8b: {  	s0 =	sand.u32 $0x1, s1  }
0x8c: {  	s17 =	sshll.u32 s0, $0xA;
	s2 =	sadd.s32 s3, s2  }
0x8d: {  	s2 =	sadd.s32 s2, s17  }
0x8e: {  	[smem:$0x3FB2] =	sst s2  }
0x8f: {  	_ = 	snop  }
0x90: {  	s2 =	sld [smem:$0x3FC9];
	(tm) =	ssettm $0x1  }
0x91: {  	s18 =	sld [smem:$0x3FFB];
	_ =	sdelay $0x3  }
0x92: {  	_ =	strace s18  }
0x93: {  	s3 =	sld [smem:$0x3FFC];
	_ =	sdelay $0x3  }
0x94: {  	_ =	strace s3  }
0x95: {  	s3 =	sld [smem:$0x3FFD];
	_ =	sdelay $0x3  }
0x96: {  	_ =	strace s3  }
0x97: {  	_ =	strace $0x8FFFFFFF  }
0x98: {  	s19 =	sld [smem:$0x3FDB];
	_ =	sdelay $0x1  }
0x99: {  	s4 =	simm.s32 $_scs_section_size  }
0x9a: {  	s5 =	simm.s32 $_size__tile_overlayer_lowered;
	s6 =	simm.s32 $_tile_overlayer_lowered  }
0x9b: {  	s22 =	simm.s32 $0x1BFF;
	s21 =	sshll.u32 s6, $0x1;
	s3 =	sadd.s32 s4, s19  }
0x9c: {  	s7 =	simm.s32 $0x0;
	s20 =	sshll.u32 s5, $0x1;
	s5 =	sadd.s32 s21, s3  }
0x9d: {  	[timem:s7], [sflag:s22] =	dma.local [hbm:s5], s20  }
0x9e: {  	_ =	swait.ge [sflag:s22], s20  }
0x9f: {  	s4 =	ssub.s32 $0x0, s20;
	[sflag:s22] =	ssyncset.done $0x0  }
0xa0: {  	[sflag:s22] =	ssyncadd.s32 s4;
	_ =	sdelay $0x1  }
0xa1: {  	s23 =	simm.s32 $0x1B8B  }
0xa2: {  	_ =	swait.ge [sflag:s23], $0x1  }
0xa3: {  	[sflag:s23] =	ssyncset.done $0x0  }
0xa4: {  	s25 =	simm.s32 $0x1B8E;
	s24 =	sld [smem:$0x3FFE];
	[sflag:s23] =	ssyncadd.s32 $0xFFFFFFFF  }
0xa5: {  	s26 =	simm.s32 $execute0_lowered;
	[smem:$0x3FD2] =	sst s25  }
0xa6: {  	s5 =	sshll.u32 s26, $0x1;
	_ =	strace $0x80000046;
	[dreg:$0x1] =	wrdreg $0xFFFFFFFF  }
0xa7: {  	s28 =	simm.s32 $_size_execute0_lowered;
	s3 =	sadd.s32 s3, s5;
	[dreg:$0x0] =	wrdreg $0x0  }
0xa8: {  	s5 =	sshll.u32 s28, $0x1;
	[dreg:$0x2] =	wrdreg s3  }
0xa9: {  	[dreg:$0x3] =	wrdreg s5  }
0xaa: {  	[dreg:$0x4] =	wrdreg $0xC0  }
0xab: {  	_ =	task [dreg:s7], $0x5FFFF  }
0xac: {  	[dreg:$0x1] =	wrdreg $0xFFFFFFFF  }
0xad: {  	[dreg:$0x0] =	wrdreg $0x60  }
0xae: {  	[dreg:$0x2] =	wrdreg s2  }
0xaf: {  	[dreg:$0x3] =	wrdreg s24  }
0xb0: {  	[dreg:$0x4] =	wrdreg $0x79000  }
0xb1: {  	[dreg:$0x5] =	wrdreg $0x9  }
0xb2: {  	_ =	task.clear_ibuf [dreg:s7], $0x6FFFF;
	_ =	strace $0x90000046  }
0xb3: {  	s29 =	simm.s32 $0x9;
	_ =	strace $0x80000048  }
0xb4: {  	_ =	swait.ge [sflag:s29], $0x1  }
0xb5: {  	[sflag:s29] =	ssyncadd.s32 $0xFFFFFFFF  }
0xb6: {  	_ =	strace $0x90000048  }
0xb7: {  	_ =	sfence  }
0xb8: {  	s30 =	sld [smem:$0x0];
	_ =	sdelay $0x2  }
0xb9: {  	s31 =	sshll.u32 s1, $0xD;
	s1 =	sshrl.u32 s1, $0x2  }
0xba: {  	s3 =	sand.u32 $0x4000, s31;
	s1 =	sadd.s32 s1, s30  }
0xbb: {  	s0 =	sor.u32 s3, s0;
	s1 =	sshll.u32 s1, $0x11  }
0xbc: {  	s0 =	sor.u32 s1, s0  }
0xbd: {  	s0 =	sadd.s32 $0x8F2B, s0  }
0xbe: {  	[sflag:s0] =	ssyncadd.remote.s32 $0x1  }
0xbf: {  	_ =	sfence.sel $0xFFFF  }
0xc0: {  	[dreg:$0x0] =	wrdreg $0xFFFFFFFF;
	(pc) =	sbr.abs _section_cstart, $3  }
0xc1: {  	[dreg:$0x1] =	wrdreg $0xFFFFFFFF  }
0xc2: {  	_ =	task.clear_ibuf [dreg:s7], $0x2FFFF;
	_ =	strace $0x9FFFFFFF  }
0xc3: {  	(tm) =	ssettm $0x7FFFFFFF  }
tec
execute0_lowered:
.L_overlay_start_1:
0x0: {  	(tag) =	ssettag $0x1  }
0x1: {  	s1 =	rddreg [dreg:$0x0]  }
0x2: {  	s5 =	rddreg [dreg:$0x1]  }
0x3: {  	s2 =	rddreg [dreg:$0x2]  }
0x4: {  	s0 =	rddreg [dreg:$0x3];
	s3 =	simm.s32 $0x0  }
0x5: {  	s4 =	srdreg.scid;
	s14 =	simm.s32 $0x5100;
	s15 =	simm.s32 $0x2  }
0x6: {  	s16 =	simm.s32 $0x80;
	s17 =	simm.s32 $0x2900;
	s18 =	simm.s32 $0x50  }
0x7: {  	s19 =	simm.s32 $0x100;
	s20 =	simm.s32 $0x1;
	s21 =	simm.s32 $0x0  }
0x8: {  	[smem:$0x7FF] =	sst s3;
	s8 =	sand.u32 $0x1, s4;
	s4 =	sadd.s32 $0xD000, s5  }
0x9: {  	s6 =	sadd.s32 $0x3200, s5;
	s7 =	sadd.s32 $0x4F8E00, s5;
	s9 =	smul.u32 $0x27100, s8  }
0xa: {  	_ =	strace $0x80000047;
	s10 =	ssub.s32 $0x2, s8;
	s30 =	sshll.u32 s8, $0x4  }
0xb: {  	s29 =	sshrl.u32 s10, $0x1;
	s11 =	sadd.s32 s9, s5;
	s5 =	stileid.u32  }
0xc: {  	s8 =	simm.s32 $0x5;
	s12 =	ssub.s32 s10, s29;
	s31 =	smul.u32 $0x50000, s5  }
0xd: {  	p0 =	seq.s32 s5, $0xF;
	s9 =	sor.u32 s5, s30;
	s10 =	sadd.s32 $0x16E00, s11  }
0xe: {  	s11 =	smax.u32 s12, $0x1;
	s9 =	smul.u32 $0x2710, s9;
	s13 =	sshrl.u32 s31, $0x2  }
0xf: {  	v0 =	vimm.f32 $0.0e+00;
	s8 =	simm.s32 @!p0 $0x8;
	s12 =	sadd.s32 s13, s2;
	s13 =	smul.u32 $0x2800, s5  }
.LBB2_1:
0x10: {  	s22 =	sand.u32 $0xFE00, s3  }
0x11: {  	s23 =	sand.u32 $0x70, s3;
	s24 =	sshrl.u32 s22, $0x2  }
0x12: {  	s22 =	simm.s32 $0x40;
	s24 =	sor.u32 s23, s24;
	s23 =	simm.s32 $0x0  }
.LBB2_2:
0x13: {  	p0 =	sne.s32 s22, $0x9FC0  }
0x14: {  	[tilespmem:s24+$0x5100] =	vst v0;
	s23 =	sadd.s32 $0x10, s23;
	s24 =	smov.u32 s22;
	s22 =	sadd.s32 $0x40, s22  }
.Ltmp0:
0x15: {  	(pc) =	sbr.rel @p0 .LBB2_2-.Ltmp0, $4  }
0x16: {  	_ = 	snop  }
0x17: {  	s24 =	sand.u32 $0xFE00, s24  }
0x18: {  	s25 =	sand.u32 $0x70, s23;
	s24 =	sshrl.u32 s24, $0x2  }
0x19: {  	s24 =	sor.u32 s25, s24  }
0x1a: {  	p0 =	sne.s32 s8, $0x1  }
.Ltmp1:
0x1b: {  	_ = 	snop;
	(pc) =	sbr.rel @!p0 .LBB2_5-.Ltmp1, $4  }
0x1c: {  	[tilespmem:s24+$0x5100] =	vst v0  }
0x1d: {  	[spmem:s12] =	stream.linear.scatter [tilespmem:s14], [sflag:$0x2], $0x2800, $0x38;
	[tilespmem:$0x1B180] =	vst v63  }
0x1e: {  	_ =	swait.ge [sflag:s15], $0x2800  }
0x1f: {  	s22 =	sadd.s32 $0xFFFFFFFF, s8;
	s23 =	smov.u32 s12;
	[sflag:s15] =	ssyncset.done $0x0  }
.LBB2_4:
0x20: {  	p1 =	sne.s32 s22, $0x1;
	[sflag:s15] =	ssyncadd.s32 $0xFFFFD800;
	s23 =	sadd.s32 $0x2800, s23  }
.Ltmp2:
0x21: {  	s22 =	sadd.s32 $0xFFFFFFFF, s22;
	(pc) =	sbr.rel @p1 .LBB2_4-.Ltmp2, $4  }
0x22: {  	_ = 	snop  }
0x23: {  	[spmem:s23] =	stream.linear.scatter [tilespmem:s14], [sflag:$0x2], $0x2800, $0x38;
	[tilespmem:$0x1B180] =	vst v63  }
0x24: {  	_ =	swait.ge [sflag:s15], $0x2800  }
0x25: {  	[sflag:s15] =	ssyncset.done $0x0  }
.LBB2_5:
0x26: {  	[sflag:s15] =	ssyncadd.s32 $0xFFFFD800  }
0x27: {  	s22 =	simm.s32 $0x0;
	s23 =	simm.s32 $0x0;
	[bflag:$0x0] =	sbarrier.arrive $0xFFFF  }
.LBB2_6:
0x28: {  	s24 =	smul.u32 $0x50, s23;
	_ =	sdelay $0x1  }
0x29: {  	s24 =	sadd.s32 s9, s24  }
0x2a: {  	s25 =	sshrl.u32 s24, $0x3  }
0x2b: {  	s26 =	sadd.s32 s4, s25  }
0x2c: {  	[tilespmem:s22], [sflag:$0x2] =	stream.linear.gather [hbm4b:s26+s22], $0x50, $0x38;
	[tilespmem:$0x1B180] =	vst v63  }
0x2d: {  	_ =	swait.ge [sflag:s15], $0x50  }
0x2e: {  	[sflag:s15] =	ssyncset.done $0x0  }
0x2f: {  	s25 =	sadd.s32 s6, s25;
	[sflag:s15] =	ssyncadd.s32 $0xFFFFFFB0  }
0x30: {  	[tilespmem:s16], [sflag:$0x2] =	stream.linear.gather [hbm4b:s25+s22], $0x50, $0x38;
	[tilespmem:$0x1B180] =	vst v63  }
0x31: {  	_ =	swait.ge [sflag:s15], $0x50  }
0x32: {  	s24 =	sshll.u32 s24, $0x4;
	[sflag:s15] =	ssyncset.done $0x0  }
0x33: {  	s24 =	sadd.s32 s7, s24;
	[sflag:s15] =	ssyncadd.s32 $0xFFFFFFB0  }
0x34: {  	[tilespmem:s17], [sflag:$0x2] =	stream.linear.gather [hbm4b:s24+s22], $0x2800, $0x38;
	[tilespmem:$0x1B180] =	vst v63  }
0x35: {  	_ =	swait.ge [sflag:s15], $0x2800  }
0x36: {  	[sflag:s15] =	ssyncset.done $0x0  }
0x37: {  	[sflag:s15] =	ssyncadd.s32 $0xFFFFD800  }
0x38: {  	[tilespmem:s19], [sflag:$0x1] =	stream.indirect.gather [hbm4b:s1+s18], $0x80, s22, s18, $0xb8;
	[tilespmem:$0x1B180] =	vst v63  }
0x39: {  	_ =	swait.ge [sflag:s20], $0x2800  }
0x3a: {  	[sflag:s20] =	ssyncset.done $0x0  }
0x3b: {  	s24 =	simm.s32 $0x0;
	[sflag:s20] =	ssyncadd.s32 $0xFFFFD800  }
0x3c: {  	v7 =	vld [tilespmem:s24+$0x100]  }
0x3d: {  	v12 =	vld [tilespmem:s24+$0x110]  }
0x3e: {  	v6 =	vld [tilespmem:s24+$0x120]  }
0x3f: {  	v5 =	vld [tilespmem:s24+$0x130]  }
0x40: {  	v4 =	vld [tilespmem:s24+$0x140]  }
0x41: {  	v3 =	vld [tilespmem:s24+$0x150]  }
0x42: {  	v2 =	vld [tilespmem:s24+$0x160]  }
0x43: {  	v1 =	vld [tilespmem:s24+$0x170]  }
0x44: {  	v13 =	vld [tilespmem:s24+$0x2900]  }
0x45: {  	v14 =	vld [tilespmem:s24+$0x2910]  }
0x46: {  	v11 =	vld [tilespmem:s24+$0x2920]  }
0x47: {  	v10 =	vld [tilespmem:s24+$0x2930]  }
0x48: {  	v9 =	vld [tilespmem:s24+$0x2940]  }
0x49: {  	v8 =	vld [tilespmem:s24+$0x2950];
	v13 =	vadd.f32 v7, v13  }
0x4a: {  	s25 =	simm.s32 $0x200;
	v12 =	vadd.f32 v12, v14;
	v7 =	vld [tilespmem:s24+$0x2960]  }
.LBB2_7:
0x4b: {  	s26 =	sshra.s32 s25, $0x2;
	p1 =	sne.s32 s25, $0x9E00;
	v13 =	vmax.f32 v13, $0.0e+00;
	v6 =	vadd.f32 v6, v11;
	v11 =	vld [tilespmem:s24+$0x2970]  }
0x4c: {  	v14 =	vld [tilespmem:s26+$0x100];
	[tilespmem:s24+$0x2900] =	vst v13;
	v12 =	vmax.f32 v12, $0.0e+00;
	v5 =	vadd.f32 v5, v10  }
0x4d: {  	v15 =	vld [tilespmem:s26+$0x110];
	[tilespmem:s24+$0x2910] =	vst v12;
	v10 =	vmax.f32 v6, $0.0e+00;
	v4 =	vadd.f32 v4, v9  }
0x4e: {  	v6 =	vld [tilespmem:s26+$0x120];
	[tilespmem:s24+$0x2920] =	vst v10;
	v9 =	vmax.f32 v5, $0.0e+00;
	v3 =	vadd.f32 v3, v8  }
0x4f: {  	v5 =	vld [tilespmem:s26+$0x130];
	[tilespmem:s24+$0x2930] =	vst v9;
	v8 =	vmax.f32 v4, $0.0e+00;
	v2 =	vadd.f32 v2, v7  }
0x50: {  	v4 =	vld [tilespmem:s26+$0x140];
	[tilespmem:s24+$0x2940] =	vst v8;
	v7 =	vmax.f32 v3, $0.0e+00;
	v1 =	vadd.f32 v1, v11  }
0x51: {  	v3 =	vld [tilespmem:s26+$0x150];
	[tilespmem:s24+$0x2950] =	vst v7;
	v7 =	vmax.f32 v2, $0.0e+00  }
0x52: {  	v2 =	vld [tilespmem:s26+$0x160];
	[tilespmem:s24+$0x2960] =	vst v7;
	v7 =	vmax.f32 v1, $0.0e+00  }
0x53: {  	v1 =	vld [tilespmem:s26+$0x170];
	[tilespmem:s24+$0x2970] =	vst v7;
	s24 =	smov.u32 s26  }
0x54: {  	v7 =	vld [tilespmem:s24+$0x2900]  }
0x55: {  	v12 =	vld [tilespmem:s24+$0x2910]  }
.Ltmp3:
0x56: {  	v11 =	vld [tilespmem:s24+$0x2920];
	(pc) =	sbr.rel @p1 .LBB2_7-.Ltmp3, $4  }
0x57: {  	v10 =	vld [tilespmem:s24+$0x2930]  }
0x58: {  	v9 =	vld [tilespmem:s24+$0x2940]  }
0x59: {  	v13 =	vadd.f32 v14, v7;
	v8 =	vld [tilespmem:s24+$0x2950]  }
0x5a: {  	s25 =	sadd.s32 $0x200, s25;
	v12 =	vadd.f32 v15, v12;
	v7 =	vld [tilespmem:s24+$0x2960]  }
0x5b: {  	v13 =	vmax.f32 v13, $0.0e+00;
	v6 =	vadd.f32 v6, v11;
	v63 =	vld [tilespmem:s24+$0x2970]  }
0x5c: {  	[tilespmem:s24+$0x2900] =	vst v13;
	v12 =	vmax.f32 v12, $0.0e+00;
	v5 =	vadd.f32 v5, v10  }
0x5d: {  	[tilespmem:s24+$0x2910] =	vst v12;
	v6 =	vmax.f32 v6, $0.0e+00;
	v4 =	vadd.f32 v4, v9  }
0x5e: {  	[tilespmem:s24+$0x2920] =	vst v6;
	v5 =	vmax.f32 v5, $0.0e+00;
	v3 =	vadd.f32 v3, v8  }
0x5f: {  	[tilespmem:s24+$0x2930] =	vst v5;
	v4 =	vmax.f32 v4, $0.0e+00;
	v2 =	vadd.f32 v2, v7  }
0x60: {  	[tilespmem:s24+$0x2940] =	vst v4;
	v3 =	vmax.f32 v3, $0.0e+00;
	v1 =	vadd.f32 v1, v63  }
0x61: {  	s23 =	sadd.s32 $0x1, s23;
	[tilespmem:s24+$0x2950] =	vst v3;
	v2 =	vmax.f32 v2, $0.0e+00  }
0x62: {  	p1 =	sne.s32 s23, $0x7D;
	[tilespmem:s24+$0x2960] =	vst v2;
	v1 =	vmax.f32 v1, $0.0e+00  }
.Ltmp4:
0x63: {  	[tilespmem:s24+$0x2970] =	vst v1;
	(pc) =	sbr.rel @p1 .LBB2_6-.Ltmp4, $4  }
0x64: {  	[spmem:s2] =	stream.indirect.scatter.add.f32 [tilespmem:s17], [sflag:$0x2], $0x80, s16, s18, $0xb8;
	[tilespmem:$0x1B180] =	vst v63  }
0x65: {  	_ =	swait.ge [sflag:s15], $0x2800  }
0x66: {  	[sflag:s15] =	ssyncset.done $0x0  }
0x67: {  	[sflag:s15] =	ssyncadd.s32 $0xFFFFD800  }
0x68: {  	[bflag:$0x0] =	sbarrier.arrive $0xFFFF  }
0x69: {  	[tilespmem:s14], [sflag:$0x2] =	stream.linear.gather [spmem:s12], $0x2800, $0x38;
	[tilespmem:$0x1B180] =	vst v63  }
0x6a: {  	_ =	swait.ge [sflag:s15], $0x2800  }
.Ltmp5:
0x6b: {  	[sflag:s15] =	ssyncset.done $0x0;
	(pc) =	sbr.rel @!p0 .LBB2_11-.Ltmp5, $4  }
0x6c: {  	s22 =	sadd.s32 s13, s10;
	[sflag:s15] =	ssyncadd.s32 $0xFFFFD800  }
0x6d: {  	[hbm4b:s22+s3] =	stream.linear.scatter [tilespmem:s14], [sflag:$0x2], $0x2800, $0x38;
	[tilespmem:$0x1B180] =	vst v63  }
0x6e: {  	s23 =	smov.u32 s13;
	_ =	swait.ge [sflag:s15], $0x2800  }
0x6f: {  	s24 =	smov.u32 s12;
	s22 =	sadd.s32 $0xFFFFFFFF, s8;
	[sflag:s15] =	ssyncset.done $0x0  }
.LBB2_10:
0x70: {  	[sflag:s15] =	ssyncadd.s32 $0xFFFFD800;
	s23 =	sadd.s32 $0x500, s23;
	s24 =	sadd.s32 $0x2800, s24  }
0x71: {  	[tilespmem:s14], [sflag:$0x2] =	stream.linear.gather [spmem:s24], $0x2800, $0x38;
	[tilespmem:$0x1B180] =	vst v63  }
0x72: {  	p0 =	sne.s32 s22, $0x1;
	s22 =	sadd.s32 $0xFFFFFFFF, s22;
	_ =	swait.ge [sflag:s15], $0x2800  }
.Ltmp6:
0x73: {  	[sflag:s15] =	ssyncset.done $0x0;
	(pc) =	sbr.rel @p0 .LBB2_10-.Ltmp6, $4  }
0x74: {  	s25 =	sadd.s32 s23, s10;
	[sflag:s15] =	ssyncadd.s32 $0xFFFFD800  }
0x75: {  	[hbm4b:s25+s3] =	stream.linear.scatter [tilespmem:s14], [sflag:$0x2], $0x2800, $0x38;
	[tilespmem:$0x1B180] =	vst v63  }
0x76: {  	_ =	swait.ge [sflag:s15], $0x2800  }
0x77: {  	[sflag:s15] =	ssyncset.done $0x0  }
.LBB2_11:
0x78: {  	s21 =	sadd.s32 $0x1, s21  }
0x79: {  	p0 =	sne.s32 s21, s11  }
.Ltmp7:
0x7a: {  	_ = 	snop;
	(pc) =	sbr.rel @p0 .LBB2_1-.Ltmp7, $2  }
0x7b: {  	_ =	sdelay $0x2  }
0x7c: {  	[sflag:s15] =	ssyncadd.s32 $0xFFFFD800  }
0x7d: {  	_ =	sfence.sel $0x180000  }
0x7e: {  	[bflag:$0x0] =	sbarrier.arrive $0xFFFF  }
0x7f: {  	p0 =	sne.s32 s5, $0x0;
	_ =	strace $0x90000047  }
0x80: {  	s0 =	sadd.s32 @!p0 $0x100000, s0;
	[bflag:$0x2] =	sbarrier.arrive $0xFFFF  }
0x81: {  	[sflag:s0] =	ssyncadd.tile.s32 @!p0 $0x1;
	_ =	shalt  }
.Lfunc_end2:
_tile_overlayer_lowered:
.L_overlay_start_2:
0x82: {  	(tag) =	ssettag $0x2  }
0x83: {  	s0 =	rddreg [dreg:$0x0];
	s2 =	stileid.u32  }
0x84: {  	s1 =	rddreg [dreg:$0x1];
	p0 =	sne.s32 s2, $0x0  }
0x85: {  	s3 =	rddreg [dreg:$0x2];
	[bflag:$0x3] =	sbarrier.arrive $0xFFFF;
	s2 =	simm.s32 @!p0 $0x1C02  }
0x86: {  	[timem:s3], [sflag:s2] =	dma.local @!p0 [hbm:s0], s1  }
0x87: {  	s0 =	simm.s32 @!p0 $0x2  }
0x88: {  	_ =	swait.ge @!p0 [sflag:s0], s1  }
0x89: {  	s1 =	ssub.s32 @!p0 $0x0, s1;
	[sflag:s0] =	ssyncset.done @!p0 $0x0  }
0x8a: {  	[sflag:s0] =	ssyncadd.s32 @!p0 s1  }
0x8b: {  	[bflag:$0x3] =	sbarrier.arrive $0xFFFF  }
0x8c: {  	_ =	shalt  }

</sc_bundles>
